<compile_context>
chip_gen: v7x
topology: tpu7x:2x2x1
jax: 0.10.2.dev20260603
libtpu: 0.0.44.dev20260713+nightly
codegen_flags: <defaults>
</compile_context>

<pallas_src>
import functools

import jax
import jax.numpy as jnp
from jax import lax
from jax.experimental import pallas as pl
from jax.experimental.pallas import tpu as pltpu
from jax.experimental.pallas import tpu_sc as plsc

N_NODES = 10000
N_EDGES = 320000
D = 128

NUM_CORES = 2
NUM_SUBCORES = 16
NW = NUM_CORES * NUM_SUBCORES
EPW = N_EDGES // NW
B = 40
NCHUNK = EPW // B
NPAIR = NCHUNK // 2
CPY = 400

_mesh = plsc.VectorSubcoreMesh(core_axis_name="c", subcore_axis_name="s")


@functools.partial(
    pl.kernel,
    out_type=jax.ShapeDtypeStruct((N_NODES + N_EDGES, D), jnp.float32),
    mesh=_mesh,
    scratch_types=[
        pltpu.VMEM((EPW,), jnp.int32),
        pltpu.VMEM((EPW,), jnp.int32),
        pltpu.VMEM((2, B, D), jnp.float32),
        pltpu.VMEM((2, B, D), jnp.float32),
        pltpu.VMEM((2, B, D), jnp.float32),
        pltpu.SemaphoreType.DMA,
        pltpu.SemaphoreType.DMA,
        pltpu.SemaphoreType.DMA,
        pltpu.SemaphoreType.DMA,
        pltpu.SemaphoreType.DMA,
    ],
)
def _pool_kernel(x, i0, i1, out, idx0_v, idx1_v, buf_a, buf_b, buf_o,
                 gsem0, gsem1, ssem0, ssem1, csem):
    w = lax.axis_index("s") * NUM_CORES + lax.axis_index("c")
    gsem = (gsem0, gsem1)
    ssem = (ssem0, ssem1)

    @pl.when(w < N_NODES // CPY)
    def _copy_input():
        base = w * CPY
        pltpu.async_copy(x.at[pl.ds(base, CPY)], out.at[pl.ds(base, CPY)],
                         csem)

    ebase = w * EPW
    pltpu.sync_copy(i0.at[pl.ds(ebase, EPW)], idx0_v)
    pltpu.sync_copy(i1.at[pl.ds(ebase, EPW)], idx1_v)

    def start_gathers(c, s):
        off = c * B
        pltpu.async_copy(x.at[idx0_v.at[pl.ds(off, B)]], buf_a.at[s], gsem[s])
        pltpu.async_copy(x.at[idx1_v.at[pl.ds(off, B)]], buf_b.at[s], gsem[s])

    def drain_gathers(s):
        pltpu.make_async_copy(x.at[pl.ds(0, B)], buf_a.at[s], gsem[s]).wait()
        pltpu.make_async_copy(x.at[pl.ds(0, B)], buf_b.at[s], gsem[s]).wait()

    def average(s):
        def row(r, rc):
            for j in range(8):
                sl = pl.ds(j * 16, 16)
                buf_o[s, r, sl] = (buf_a[s, r, sl] + buf_b[s, r, sl]) * 0.5
            return rc
        lax.fori_loop(0, B, row, None)

    def store(c, s):
        pltpu.async_copy(buf_o.at[s],
                         out.at[pl.ds(N_NODES + ebase + c * B, B)], ssem[s])

    def drain_store(s):
        pltpu.make_async_copy(x.at[pl.ds(0, B)], buf_o.at[s], ssem[s]).wait()

    start_gathers(0, 0)
    start_gathers(1, 1)

    def pair(t, carry):
        for s in (0, 1):
            c = 2 * t + s
            drain_gathers(s)

            @pl.when(t > 0)
            def _():
                drain_store(s)

            average(s)
            store(c, s)

            @pl.when(t < NPAIR - 1)
            def _():
                start_gathers(c + 2, s)
        return carry

    lax.fori_loop(0, NPAIR, pair, None)
    drain_store(0)
    drain_store(1)

    @pl.when(w < N_NODES // CPY)
    def _copy_wait():
        base = w * CPY
        pltpu.make_async_copy(x.at[pl.ds(base, CPY)],
                              out.at[pl.ds(base, CPY)], csem).wait()


def kernel(input, pool_idx):
    i0 = pool_idx[:, 0].astype(jnp.int32)
    i1 = pool_idx[:, 1].astype(jnp.int32)
    return _pool_kernel(input, i0, i1)

# --- scband reference (transcript-rebuilt; emitter-appended) ---
"""Pipeline reference for scband-graph-pooling-47476568490134 (READ-ONLY COPY).

The authoritative reference and input builder live on the scoring server;
editing this copy changes nothing except your own understanding.
"""

import jax, jax.numpy as jnp
import numpy as np

N_NODES = 10000
N_EDGES = 320000
D_FEAT = 128


def setup_inputs(seed: int = 0) -> dict:
    key = jax.random.key(seed)
    k1, k2 = jax.random.split(key)
    x = jax.random.normal(k1, (N_NODES, D_FEAT), dtype=jnp.float32)
    pool_idx = jax.random.randint(k2, (N_EDGES, 2), 0, N_NODES, dtype=jnp.int64 if jax.config.jax_enable_x64 else jnp.int32)
    return {"input": x, "pool_idx": pool_idx}


def reference(input, pool_idx):
    # GraphPooling.forward:
    #   new_features = input[pool_idx]          -> [E, 2, d]  (gather)
    #   new_vertices = 0.5 * new_features.sum(1) -> [E, d]    (edge midpoints)
    #   output = cat((input, new_vertices), 0)   -> [N + E, d]
    new_features = jnp.take(input, pool_idx, axis=0)  # [E, 2, d]
    new_vertices = 0.5 * new_features.sum(axis=1)     # [E, d]
    output = jnp.concatenate((input, new_vertices), axis=0)
    return output

if __name__ == "__main__":
    import jax
    _d = setup_inputs()
    print(jax.jit(kernel)(*tuple(_d.values())))

</pallas_src>

<mosaic_0001>
#map = affine_map<(d0, d1) -> (0, 0)>
#map1 = affine_map<(d0, d1) -> (0)>
module attributes {stable_mosaic.version = 14 : i64} {
  func.func @_pool_kernel(%arg0: i32, %arg1: i32, %arg2: memref<10000x128xf32, #tpu.memory_space<hbm>>, %arg3: memref<320000xi32, #tpu.memory_space<hbm>>, %arg4: memref<320000xi32, #tpu.memory_space<hbm>>, %arg5: memref<330000x128xf32, #tpu.memory_space<hbm>>, %arg6: memref<10000xi32, #tpu.memory_space<vmem>>, %arg7: memref<10000xi32, #tpu.memory_space<vmem>>, %arg8: memref<2x40x128xf32, #tpu.memory_space<vmem>>, %arg9: memref<2x40x128xf32, #tpu.memory_space<vmem>>, %arg10: memref<2x40x128xf32, #tpu.memory_space<vmem>>, %arg11: memref<!tpu.dma_semaphore, #tpu.memory_space<semaphore_mem>>, %arg12: memref<!tpu.dma_semaphore, #tpu.memory_space<semaphore_mem>>, %arg13: memref<!tpu.dma_semaphore, #tpu.memory_space<semaphore_mem>>, %arg14: memref<!tpu.dma_semaphore, #tpu.memory_space<semaphore_mem>>, %arg15: memref<!tpu.dma_semaphore, #tpu.memory_space<semaphore_mem>>) attributes {dimension_semantics = [#tpu.dimension_semantics<core_parallel>, #tpu.dimension_semantics<subcore_parallel>], iteration_bounds = array<i64: 2, 16>, scalar_prefetch = 0 : i64, scratch_operands = 10 : i64, tpu.core_type = #tpu.core_type<sc_vector_subcore>, window_params = [{transform_indices = #map}, {transform_indices = #map1}, {transform_indices = #map1}, {transform_indices = #map}]} {
    %mul3A = arith.constant 2 : i32
    %mul3A_0 = arith.muli %arg1, %mul3A : i32
    %add3A = arith.addi %mul3A_0, %arg0 : i32
    %lt3A = arith.constant 25 : i32
    %lt3A_1 = arith.cmpi slt, %add3A, %lt3A : i32
    %convert_element_type3A = arith.extui %lt3A_1 : i1 to i32
    %cond3A = arith.constant 0 : i32
    %cond3A_2 = arith.cmpi ne, %convert_element_type3A, %cond3A : i32
    scf.if %cond3A_2 {
      %mul3A_82 = arith.constant 400 : i32
      %mul3A_83 = arith.muli %add3A, %mul3A_82 : i32
      %dma_start3A_84 = arith.constant 0 : i32
      %dma_start3A_85 = tpu.memref_slice %arg5[%mul3A_83, %dma_start3A_84] : memref<330000x128xf32, #tpu.memory_space<hbm>> -> memref<400x128xf32, #tpu.memory_space<hbm>>
      %dma_start3A_86 = arith.constant 0 : i32
      %dma_start3A_87 = tpu.memref_slice %arg2[%mul3A_83, %dma_start3A_86] : memref<10000x128xf32, #tpu.memory_space<hbm>> -> memref<400x128xf32, #tpu.memory_space<hbm>>
      tpu.enqueue_dma source(%dma_start3A_87 : memref<400x128xf32, #tpu.memory_space<hbm>>) target(%dma_start3A_85 : memref<400x128xf32, #tpu.memory_space<hbm>>) target_semaphore(%arg15 : memref<!tpu.dma_semaphore, #tpu.memory_space<semaphore_mem>>)
    } else {
    }
    %mul3A_3 = arith.constant 10000 : i32
    %mul3A_4 = arith.muli %add3A, %mul3A_3 : i32
    "tpu.region"() ({
      %run_scoped3A = tpu.sem_alloc : memref<!tpu.dma_semaphore, #tpu.memory_space<semaphore_mem>>
      %dma_start3A_82 = tpu.memref_slice %arg3[%mul3A_4] : memref<320000xi32, #tpu.memory_space<hbm>> -> memref<10000xi32, #tpu.memory_space<hbm>>
      %dma_start3A_83 = tpu.memref_slice %arg3[%mul3A_4] : memref<320000xi32, #tpu.memory_space<hbm>> -> memref<10000xi32, #tpu.memory_space<hbm>>
      tpu.enqueue_dma source(%dma_start3A_83 : memref<10000xi32, #tpu.memory_space<hbm>>) target(%arg6 : memref<10000xi32, #tpu.memory_space<vmem>>) target_semaphore(%run_scoped3A : memref<!tpu.dma_semaphore, #tpu.memory_space<semaphore_mem>>)
      %dma_wait3A_84 = tpu.memref_slice %arg3[%mul3A_4] : memref<320000xi32, #tpu.memory_space<hbm>> -> memref<10000xi32, #tpu.memory_space<hbm>>
      %dma_wait3A_85 = tpu.memref_slice %arg3[%mul3A_4] : memref<320000xi32, #tpu.memory_space<hbm>> -> memref<10000xi32, #tpu.memory_space<hbm>>
      tpu.wait_dma2 semaphore(%run_scoped3A : memref<!tpu.dma_semaphore, #tpu.memory_space<semaphore_mem>>) src(%dma_wait3A_85 : memref<10000xi32, #tpu.memory_space<hbm>>) dst(%arg6 : memref<10000xi32, #tpu.memory_space<vmem>>)
      tpu.yield
    }) : () -> ()
    "tpu.region"() ({
      %run_scoped3A = tpu.sem_alloc : memref<!tpu.dma_semaphore, #tpu.memory_space<semaphore_mem>>
      %dma_start3A_82 = tpu.memref_slice %arg4[%mul3A_4] : memref<320000xi32, #tpu.memory_space<hbm>> -> memref<10000xi32, #tpu.memory_space<hbm>>
      %dma_start3A_83 = tpu.memref_slice %arg4[%mul3A_4] : memref<320000xi32, #tpu.memory_space<hbm>> -> memref<10000xi32, #tpu.memory_space<hbm>>
      tpu.enqueue_dma source(%dma_start3A_83 : memref<10000xi32, #tpu.memory_space<hbm>>) target(%arg7 : memref<10000xi32, #tpu.memory_space<vmem>>) target_semaphore(%run_scoped3A : memref<!tpu.dma_semaphore, #tpu.memory_space<semaphore_mem>>)
      %dma_wait3A_84 = tpu.memref_slice %arg4[%mul3A_4] : memref<320000xi32, #tpu.memory_space<hbm>> -> memref<10000xi32, #tpu.memory_space<hbm>>
      %dma_wait3A_85 = tpu.memref_slice %arg4[%mul3A_4] : memref<320000xi32, #tpu.memory_space<hbm>> -> memref<10000xi32, #tpu.memory_space<hbm>>
      tpu.wait_dma2 semaphore(%run_scoped3A : memref<!tpu.dma_semaphore, #tpu.memory_space<semaphore_mem>>) src(%dma_wait3A_85 : memref<10000xi32, #tpu.memory_space<hbm>>) dst(%arg7 : memref<10000xi32, #tpu.memory_space<vmem>>)
      tpu.yield
    }) : () -> ()
    %dma_start3A = arith.constant 0 : i32
    %dma_start3A_5 = arith.constant 0 : i32
    %dma_start3A_6 = arith.constant 0 : i32
    %dma_start3A_7 = tpu.memref_slice %arg8[%dma_start3A, %dma_start3A_5, %dma_start3A_6] : memref<2x40x128xf32, #tpu.memory_space<vmem>> -> memref<1x40x128xf32, #tpu.memory_space<vmem>>
    %dma_start3A_8 = tpu.memref_squeeze %dma_start3A_7 : memref<1x40x128xf32, #tpu.memory_space<vmem>> -> memref<40x128xf32, #tpu.memory_space<vmem>>
    %dma_start3A_9 = arith.constant 0 : i32
    %dma_start3A_10 = tpu.memref_slice %arg6[%dma_start3A_9] : memref<10000xi32, #tpu.memory_space<vmem>> -> memref<40xi32, #tpu.memory_space<vmem>>
    %dma_start3A_11 = arith.constant 0 : i32
    %dma_start3A_12 = arith.constant 0 : i32
    %dma_start3A_13 = tpu.memref_slice %arg2[%dma_start3A_11, %dma_start3A_12] : memref<10000x128xf32, #tpu.memory_space<hbm>> -> memref<10000x128xf32, #tpu.memory_space<hbm>>
    tpu.enqueue_indirect_dma source(%dma_start3A_13 : memref<10000x128xf32, #tpu.memory_space<hbm>>) target(%dma_start3A_8 : memref<40x128xf32, #tpu.memory_space<vmem>>) offsets(%dma_start3A_10 : memref<40xi32, #tpu.memory_space<vmem>>) semaphore(%arg11 : memref<!tpu.dma_semaphore, #tpu.memory_space<semaphore_mem>>)
    %dma_start3A_14 = arith.constant 0 : i32
    %dma_start3A_15 = arith.constant 0 : i32
    %dma_start3A_16 = arith.constant 0 : i32
    %dma_start3A_17 = tpu.memref_slice %arg9[%dma_start3A_14, %dma_start3A_15, %dma_start3A_16] : memref<2x40x128xf32, #tpu.memory_space<vmem>> -> memref<1x40x128xf32, #tpu.memory_space<vmem>>
    %dma_start3A_18 = tpu.memref_squeeze %dma_start3A_17 : memref<1x40x128xf32, #tpu.memory_space<vmem>> -> memref<40x128xf32, #tpu.memory_space<vmem>>
    %dma_start3A_19 = arith.constant 0 : i32
    %dma_start3A_20 = tpu.memref_slice %arg7[%dma_start3A_19] : memref<10000xi32, #tpu.memory_space<vmem>> -> memref<40xi32, #tpu.memory_space<vmem>>
    %dma_start3A_21 = arith.constant 0 : i32
    %dma_start3A_22 = arith.constant 0 : i32
    %dma_start3A_23 = tpu.memref_slice %arg2[%dma_start3A_21, %dma_start3A_22] : memref<10000x128xf32, #tpu.memory_space<hbm>> -> memref<10000x128xf32, #tpu.memory_space<hbm>>
    tpu.enqueue_indirect_dma source(%dma_start3A_23 : memref<10000x128xf32, #tpu.memory_space<hbm>>) target(%dma_start3A_18 : memref<40x128xf32, #tpu.memory_space<vmem>>) offsets(%dma_start3A_20 : memref<40xi32, #tpu.memory_space<vmem>>) semaphore(%arg11 : memref<!tpu.dma_semaphore, #tpu.memory_space<semaphore_mem>>)
    %dma_start3A_24 = arith.constant 1 : i32
    %dma_start3A_25 = arith.constant 0 : i32
    %dma_start3A_26 = arith.constant 0 : i32
    %dma_start3A_27 = tpu.memref_slice %arg8[%dma_start3A_24, %dma_start3A_25, %dma_start3A_26] : memref<2x40x128xf32, #tpu.memory_space<vmem>> -> memref<1x40x128xf32, #tpu.memory_space<vmem>>
    %dma_start3A_28 = tpu.memref_squeeze %dma_start3A_27 : memref<1x40x128xf32, #tpu.memory_space<vmem>> -> memref<40x128xf32, #tpu.memory_space<vmem>>
    %dma_start3A_29 = arith.constant 40 : i32
    %dma_start3A_30 = tpu.memref_slice %arg6[%dma_start3A_29] : memref<10000xi32, #tpu.memory_space<vmem>> -> memref<40xi32, #tpu.memory_space<vmem>>
    %dma_start3A_31 = arith.constant 0 : i32
    %dma_start3A_32 = arith.constant 0 : i32
    %dma_start3A_33 = tpu.memref_slice %arg2[%dma_start3A_31, %dma_start3A_32] : memref<10000x128xf32, #tpu.memory_space<hbm>> -> memref<10000x128xf32, #tpu.memory_space<hbm>>
    tpu.enqueue_indirect_dma source(%dma_start3A_33 : memref<10000x128xf32, #tpu.memory_space<hbm>>) target(%dma_start3A_28 : memref<40x128xf32, #tpu.memory_space<vmem>>) offsets(%dma_start3A_30 : memref<40xi32, #tpu.memory_space<vmem>>) semaphore(%arg12 : memref<!tpu.dma_semaphore, #tpu.memory_space<semaphore_mem>>)
    %dma_start3A_34 = arith.constant 1 : i32
    %dma_start3A_35 = arith.constant 0 : i32
    %dma_start3A_36 = arith.constant 0 : i32
    %dma_start3A_37 = tpu.memref_slice %arg9[%dma_start3A_34, %dma_start3A_35, %dma_start3A_36] : memref<2x40x128xf32, #tpu.memory_space<vmem>> -> memref<1x40x128xf32, #tpu.memory_space<vmem>>
    %dma_start3A_38 = tpu.memref_squeeze %dma_start3A_37 : memref<1x40x128xf32, #tpu.memory_space<vmem>> -> memref<40x128xf32, #tpu.memory_space<vmem>>
    %dma_start3A_39 = arith.constant 40 : i32
    %dma_start3A_40 = tpu.memref_slice %arg7[%dma_start3A_39] : memref<10000xi32, #tpu.memory_space<vmem>> -> memref<40xi32, #tpu.memory_space<vmem>>
    %dma_start3A_41 = arith.constant 0 : i32
    %dma_start3A_42 = arith.constant 0 : i32
    %dma_start3A_43 = tpu.memref_slice %arg2[%dma_start3A_41, %dma_start3A_42] : memref<10000x128xf32, #tpu.memory_space<hbm>> -> memref<10000x128xf32, #tpu.memory_space<hbm>>
    tpu.enqueue_indirect_dma source(%dma_start3A_43 : memref<10000x128xf32, #tpu.memory_space<hbm>>) target(%dma_start3A_38 : memref<40x128xf32, #tpu.memory_space<vmem>>) offsets(%dma_start3A_40 : memref<40xi32, #tpu.memory_space<vmem>>) semaphore(%arg12 : memref<!tpu.dma_semaphore, #tpu.memory_space<semaphore_mem>>)
    %scan3A = arith.constant 0 : i32
    %scan3A_44 = arith.constant 125 : i32
    %scan3A_45 = arith.addi %scan3A, %scan3A_44 : i32
    %scan3A_46 = arith.constant 1 : i32
    scf.for %scan3A_82 = %scan3A to %scan3A_45 step %scan3A_46  : i32 {
      %mul3A_83 = arith.constant 2 : i32
      %mul3A_84 = arith.muli %mul3A_83, %scan3A_82 : i32
      %add3A_85 = arith.constant 0 : i32
      %add3A_86 = arith.addi %mul3A_84, %add3A_85 : i32
      %dma_wait3A_87 = arith.constant 0 : i32
      %dma_wait3A_88 = arith.constant 0 : i32
      %dma_wait3A_89 = arith.constant 0 : i32
      %dma_wait3A_90 = tpu.memref_slice %arg8[%dma_wait3A_87, %dma_wait3A_88, %dma_wait3A_89] : memref<2x40x128xf32, #tpu.memory_space<vmem>> -> memref<1x40x128xf32, #tpu.memory_space<vmem>>
      %dma_wait3A_91 = tpu.memref_squeeze %dma_wait3A_90 : memref<1x40x128xf32, #tpu.memory_space<vmem>> -> memref<40x128xf32, #tpu.memory_space<vmem>>
      %dma_wait3A_92 = arith.constant 0 : i32
      %dma_wait3A_93 = arith.constant 0 : i32
      %dma_wait3A_94 = tpu.memref_slice %arg2[%dma_wait3A_92, %dma_wait3A_93] : memref<10000x128xf32, #tpu.memory_space<hbm>> -> memref<40x128xf32, #tpu.memory_space<hbm>>
      %dma_wait3A_95 = arith.constant 0 : i32
      %dma_wait3A_96 = arith.constant 0 : i32
      %dma_wait3A_97 = tpu.memref_slice %arg8[%dma_wait3A_87, %dma_wait3A_95, %dma_wait3A_96] : memref<2x40x128xf32, #tpu.memory_space<vmem>> -> memref<1x40x128xf32, #tpu.memory_space<vmem>>
      %dma_wait3A_98 = tpu.memref_squeeze %dma_wait3A_97 : memref<1x40x128xf32, #tpu.memory_space<vmem>> -> memref<40x128xf32, #tpu.memory_space<vmem>>
      %dma_wait3A_99 = arith.constant 0 : i32
      %dma_wait3A_100 = arith.constant 0 : i32
      %dma_wait3A_101 = tpu.memref_slice %arg2[%dma_wait3A_99, %dma_wait3A_100] : memref<10000x128xf32, #tpu.memory_space<hbm>> -> memref<40x128xf32, #tpu.memory_space<hbm>>
      tpu.wait_dma2 semaphore(%arg11 : memref<!tpu.dma_semaphore, #tpu.memory_space<semaphore_mem>>) src(%dma_wait3A_101 : memref<40x128xf32, #tpu.memory_space<hbm>>) dst(%dma_wait3A_98 : memref<40x128xf32, #tpu.memory_space<vmem>>)
      %dma_wait3A_102 = arith.constant 0 : i32
      %dma_wait3A_103 = arith.constant 0 : i32
      %dma_wait3A_104 = arith.constant 0 : i32
      %dma_wait3A_105 = tpu.memref_slice %arg9[%dma_wait3A_102, %dma_wait3A_103, %dma_wait3A_104] : memref<2x40x128xf32, #tpu.memory_space<vmem>> -> memref<1x40x128xf32, #tpu.memory_space<vmem>>
      %dma_wait3A_106 = tpu.memref_squeeze %dma_wait3A_105 : memref<1x40x128xf32, #tpu.memory_space<vmem>> -> memref<40x128xf32, #tpu.memory_space<vmem>>
      %dma_wait3A_107 = arith.constant 0 : i32
      %dma_wait3A_108 = arith.constant 0 : i32
      %dma_wait3A_109 = tpu.memref_slice %arg2[%dma_wait3A_107, %dma_wait3A_108] : memref<10000x128xf32, #tpu.memory_space<hbm>> -> memref<40x128xf32, #tpu.memory_space<hbm>>
      %dma_wait3A_110 = arith.constant 0 : i32
      %dma_wait3A_111 = arith.constant 0 : i32
      %dma_wait3A_112 = tpu.memref_slice %arg9[%dma_wait3A_102, %dma_wait3A_110, %dma_wait3A_111] : memref<2x40x128xf32, #tpu.memory_space<vmem>> -> memref<1x40x128xf32, #tpu.memory_space<vmem>>
      %dma_wait3A_113 = tpu.memref_squeeze %dma_wait3A_112 : memref<1x40x128xf32, #tpu.memory_space<vmem>> -> memref<40x128xf32, #tpu.memory_space<vmem>>
      %dma_wait3A_114 = arith.constant 0 : i32
      %dma_wait3A_115 = arith.constant 0 : i32
      %dma_wait3A_116 = tpu.memref_slice %arg2[%dma_wait3A_114, %dma_wait3A_115] : memref<10000x128xf32, #tpu.memory_space<hbm>> -> memref<40x128xf32, #tpu.memory_space<hbm>>
      tpu.wait_dma2 semaphore(%arg11 : memref<!tpu.dma_semaphore, #tpu.memory_space<semaphore_mem>>) src(%dma_wait3A_116 : memref<40x128xf32, #tpu.memory_space<hbm>>) dst(%dma_wait3A_113 : memref<40x128xf32, #tpu.memory_space<vmem>>)
      %gt3A = arith.constant 0 : i32
      %gt3A_117 = arith.cmpi sgt, %scan3A_82, %gt3A : i32
      %convert_element_type3A_118 = arith.extui %gt3A_117 : i1 to i32
      %cond3A_119 = arith.constant 0 : i32
      %cond3A_120 = arith.cmpi ne, %convert_element_type3A_118, %cond3A_119 : i32
      scf.if %cond3A_120 {
        %dma_wait3A_216 = arith.constant 0 : i32
        %dma_wait3A_217 = arith.constant 0 : i32
        %dma_wait3A_218 = arith.constant 0 : i32
        %dma_wait3A_219 = tpu.memref_slice %arg10[%dma_wait3A_216, %dma_wait3A_217, %dma_wait3A_218] : memref<2x40x128xf32, #tpu.memory_space<vmem>> -> memref<1x40x128xf32, #tpu.memory_space<vmem>>
        %dma_wait3A_220 = tpu.memref_squeeze %dma_wait3A_219 : memref<1x40x128xf32, #tpu.memory_space<vmem>> -> memref<40x128xf32, #tpu.memory_space<vmem>>
        %dma_wait3A_221 = arith.constant 0 : i32
        %dma_wait3A_222 = arith.constant 0 : i32
        %dma_wait3A_223 = tpu.memref_slice %arg2[%dma_wait3A_221, %dma_wait3A_222] : memref<10000x128xf32, #tpu.memory_space<hbm>> -> memref<40x128xf32, #tpu.memory_space<hbm>>
        %dma_wait3A_224 = arith.constant 0 : i32
        %dma_wait3A_225 = arith.constant 0 : i32
        %dma_wait3A_226 = tpu.memref_slice %arg10[%dma_wait3A_216, %dma_wait3A_224, %dma_wait3A_225] : memref<2x40x128xf32, #tpu.memory_space<vmem>> -> memref<1x40x128xf32, #tpu.memory_space<vmem>>
        %dma_wait3A_227 = tpu.memref_squeeze %dma_wait3A_226 : memref<1x40x128xf32, #tpu.memory_space<vmem>> -> memref<40x128xf32, #tpu.memory_space<vmem>>
        %dma_wait3A_228 = arith.constant 0 : i32
        %dma_wait3A_229 = arith.constant 0 : i32
        %dma_wait3A_230 = tpu.memref_slice %arg2[%dma_wait3A_228, %dma_wait3A_229] : memref<10000x128xf32, #tpu.memory_space<hbm>> -> memref<40x128xf32, #tpu.memory_space<hbm>>
        tpu.wait_dma2 semaphore(%arg13 : memref<!tpu.dma_semaphore, #tpu.memory_space<semaphore_mem>>) src(%dma_wait3A_230 : memref<40x128xf32, #tpu.memory_space<hbm>>) dst(%dma_wait3A_227 : memref<40x128xf32, #tpu.memory_space<vmem>>)
      } else {
      }
      %scan3A_121 = arith.constant 0 : i32
      %scan3A_122 = arith.constant 40 : i32
      %scan3A_123 = arith.addi %scan3A_121, %scan3A_122 : i32
      %scan3A_124 = arith.constant 1 : i32
      scf.for %scan3A_216 = %scan3A_121 to %scan3A_123 step %scan3A_124  : i32 {
        %get3A = arith.constant 0 : i32
        %get3A_217 = arith.index_cast %get3A : i32 to index
        %get3A_218 = arith.index_cast %scan3A_216 : i32 to index
        %get3A_219 = arith.constant 0 : index
        %get3A_220 = tpu.vector_load %arg8[%get3A_217, %get3A_218, %get3A_219] {strides = array<i32>} : memref<2x40x128xf32, #tpu.memory_space<vmem>>, vector<1x1x16xf32>,
        %get3A_221 = vector.shape_cast %get3A_220 : vector<1x1x16xf32> to vector<16xf32>
        %get3A_222 = arith.constant 0 : i32
        %get3A_223 = arith.index_cast %get3A_222 : i32 to index
        %get3A_224 = arith.index_cast %scan3A_216 : i32 to index
        %get3A_225 = arith.constant 0 : index
        %get3A_226 = tpu.vector_load %arg9[%get3A_223, %get3A_224, %get3A_225] {strides = array<i32>} : memref<2x40x128xf32, #tpu.memory_space<vmem>>, vector<1x1x16xf32>,
        %get3A_227 = vector.shape_cast %get3A_226 : vector<1x1x16xf32> to vector<16xf32>
        %add3A_228 = arith.addf %get3A_221, %get3A_227 : vector<16xf32>
        %mul3A_229 = arith.constant 5.000000e-01 : f32
        %mul3A_230 = vector.broadcast %mul3A_229 : f32 to vector<16xf32>
        %mul3A_231 = arith.mulf %add3A_228, %mul3A_230 : vector<16xf32>
        %swap3A = arith.constant 0 : i32
        %swap3A_232 = arith.index_cast %swap3A : i32 to index
        %swap3A_233 = arith.index_cast %scan3A_216 : i32 to index
        %swap3A_234 = arith.constant 0 : index
        %swap3A_235 = tpu.vector_load %arg10[%swap3A_232, %swap3A_233, %swap3A_234] {strides = array<i32>} : memref<2x40x128xf32, #tpu.memory_space<vmem>>, vector<1x1x16xf32>,
        %swap3A_236 = vector.shape_cast %swap3A_235 : vector<1x1x16xf32> to vector<16xf32>
        %swap3A_237 = vector.shape_cast %mul3A_231 : vector<16xf32> to vector<1x1x16xf32>
        tpu.vector_store %arg10[%swap3A_232, %swap3A_233, %swap3A_234], %swap3A_237 {strides = array<i32>} : memref<2x40x128xf32, #tpu.memory_space<vmem>>, vector<1x1x16xf32>,
        %get3A_238 = arith.constant 0 : i32
        %get3A_239 = arith.index_cast %get3A_238 : i32 to index
        %get3A_240 = arith.index_cast %scan3A_216 : i32 to index
        %get3A_241 = arith.constant 16 : index
        %get3A_242 = tpu.vector_load %arg8[%get3A_239, %get3A_240, %get3A_241] {strides = array<i32>} : memref<2x40x128xf32, #tpu.memory_space<vmem>>, vector<1x1x16xf32>,
        %get3A_243 = vector.shape_cast %get3A_242 : vector<1x1x16xf32> to vector<16xf32>
        %get3A_244 = arith.constant 0 : i32
        %get3A_245 = arith.index_cast %get3A_244 : i32 to index
        %get3A_246 = arith.index_cast %scan3A_216 : i32 to index
        %get3A_247 = arith.constant 16 : index
        %get3A_248 = tpu.vector_load %arg9[%get3A_245, %get3A_246, %get3A_247] {strides = array<i32>} : memref<2x40x128xf32, #tpu.memory_space<vmem>>, vector<1x1x16xf32>,
        %get3A_249 = vector.shape_cast %get3A_248 : vector<1x1x16xf32> to vector<16xf32>
        %add3A_250 = arith.addf %get3A_243, %get3A_249 : vector<16xf32>
        %mul3A_251 = arith.constant 5.000000e-01 : f32
        %mul3A_252 = vector.broadcast %mul3A_251 : f32 to vector<16xf32>
        %mul3A_253 = arith.mulf %add3A_250, %mul3A_252 : vector<16xf32>
        %swap3A_254 = arith.constant 0 : i32
        %swap3A_255 = arith.index_cast %swap3A_254 : i32 to index
        %swap3A_256 = arith.index_cast %scan3A_216 : i32 to index
        %swap3A_257 = arith.constant 16 : index
        %swap3A_258 = tpu.vector_load %arg10[%swap3A_255, %swap3A_256, %swap3A_257] {strides = array<i32>} : memref<2x40x128xf32, #tpu.memory_space<vmem>>, vector<1x1x16xf32>,
        %swap3A_259 = vector.shape_cast %swap3A_258 : vector<1x1x16xf32> to vector<16xf32>
        %swap3A_260 = vector.shape_cast %mul3A_253 : vector<16xf32> to vector<1x1x16xf32>
        tpu.vector_store %arg10[%swap3A_255, %swap3A_256, %swap3A_257], %swap3A_260 {strides = array<i32>} : memref<2x40x128xf32, #tpu.memory_space<vmem>>, vector<1x1x16xf32>,
        %get3A_261 = arith.constant 0 : i32
        %get3A_262 = arith.index_cast %get3A_261 : i32 to index
        %get3A_263 = arith.index_cast %scan3A_216 : i32 to index
        %get3A_264 = arith.constant 32 : index
        %get3A_265 = tpu.vector_load %arg8[%get3A_262, %get3A_263, %get3A_264] {strides = array<i32>} : memref<2x40x128xf32, #tpu.memory_space<vmem>>, vector<1x1x16xf32>,
        %get3A_266 = vector.shape_cast %get3A_265 : vector<1x1x16xf32> to vector<16xf32>
        %get3A_267 = arith.constant 0 : i32
        %get3A_268 = arith.index_cast %get3A_267 : i32 to index
        %get3A_269 = arith.index_cast %scan3A_216 : i32 to index
        %get3A_270 = arith.constant 32 : index
        %get3A_271 = tpu.vector_load %arg9[%get3A_268, %get3A_269, %get3A_270] {strides = array<i32>} : memref<2x40x128xf32, #tpu.memory_space<vmem>>, vector<1x1x16xf32>,
        %get3A_272 = vector.shape_cast %get3A_271 : vector<1x1x16xf32> to vector<16xf32>
        %add3A_273 = arith.addf %get3A_266, %get3A_272 : vector<16xf32>
        %mul3A_274 = arith.constant 5.000000e-01 : f32
        %mul3A_275 = vector.broadcast %mul3A_274 : f32 to vector<16xf32>
        %mul3A_276 = arith.mulf %add3A_273, %mul3A_275 : vector<16xf32>
        %swap3A_277 = arith.constant 0 : i32
        %swap3A_278 = arith.index_cast %swap3A_277 : i32 to index
        %swap3A_279 = arith.index_cast %scan3A_216 : i32 to index
        %swap3A_280 = arith.constant 32 : index
        %swap3A_281 = tpu.vector_load %arg10[%swap3A_278, %swap3A_279, %swap3A_280] {strides = array<i32>} : memref<2x40x128xf32, #tpu.memory_space<vmem>>, vector<1x1x16xf32>,
        %swap3A_282 = vector.shape_cast %swap3A_281 : vector<1x1x16xf32> to vector<16xf32>
        %swap3A_283 = vector.shape_cast %mul3A_276 : vector<16xf32> to vector<1x1x16xf32>
        tpu.vector_store %arg10[%swap3A_278, %swap3A_279, %swap3A_280], %swap3A_283 {strides = array<i32>} : memref<2x40x128xf32, #tpu.memory_space<vmem>>, vector<1x1x16xf32>,
        %get3A_284 = arith.constant 0 : i32
        %get3A_285 = arith.index_cast %get3A_284 : i32 to index
        %get3A_286 = arith.index_cast %scan3A_216 : i32 to index
        %get3A_287 = arith.constant 48 : index
        %get3A_288 = tpu.vector_load %arg8[%get3A_285, %get3A_286, %get3A_287] {strides = array<i32>} : memref<2x40x128xf32, #tpu.memory_space<vmem>>, vector<1x1x16xf32>,
        %get3A_289 = vector.shape_cast %get3A_288 : vector<1x1x16xf32> to vector<16xf32>
        %get3A_290 = arith.constant 0 : i32
        %get3A_291 = arith.index_cast %get3A_290 : i32 to index
        %get3A_292 = arith.index_cast %scan3A_216 : i32 to index
        %get3A_293 = arith.constant 48 : index
        %get3A_294 = tpu.vector_load %arg9[%get3A_291, %get3A_292, %get3A_293] {strides = array<i32>} : memref<2x40x128xf32, #tpu.memory_space<vmem>>, vector<1x1x16xf32>,
        %get3A_295 = vector.shape_cast %get3A_294 : vector<1x1x16xf32> to vector<16xf32>
        %add3A_296 = arith.addf %get3A_289, %get3A_295 : vector<16xf32>
        %mul3A_297 = arith.constant 5.000000e-01 : f32
        %mul3A_298 = vector.broadcast %mul3A_297 : f32 to vector<16xf32>
        %mul3A_299 = arith.mulf %add3A_296, %mul3A_298 : vector<16xf32>
        %swap3A_300 = arith.constant 0 : i32
        %swap3A_301 = arith.index_cast %swap3A_300 : i32 to index
        %swap3A_302 = arith.index_cast %scan3A_216 : i32 to index
        %swap3A_303 = arith.constant 48 : index
        %swap3A_304 = tpu.vector_load %arg10[%swap3A_301, %swap3A_302, %swap3A_303] {strides = array<i32>} : memref<2x40x128xf32, #tpu.memory_space<vmem>>, vector<1x1x16xf32>,
        %swap3A_305 = vector.shape_cast %swap3A_304 : vector<1x1x16xf32> to vector<16xf32>
        %swap3A_306 = vector.shape_cast %mul3A_299 : vector<16xf32> to vector<1x1x16xf32>
        tpu.vector_store %arg10[%swap3A_301, %swap3A_302, %swap3A_303], %swap3A_306 {strides = array<i32>} : memref<2x40x128xf32, #tpu.memory_space<vmem>>, vector<1x1x16xf32>,
        %get3A_307 = arith.constant 0 : i32
        %get3A_308 = arith.index_cast %get3A_307 : i32 to index
        %get3A_309 = arith.index_cast %scan3A_216 : i32 to index
        %get3A_310 = arith.constant 64 : index
        %get3A_311 = tpu.vector_load %arg8[%get3A_308, %get3A_309, %get3A_310] {strides = array<i32>} : memref<2x40x128xf32, #tpu.memory_space<vmem>>, vector<1x1x16xf32>,
        %get3A_312 = vector.shape_cast %get3A_311 : vector<1x1x16xf32> to vector<16xf32>
        %get3A_313 = arith.constant 0 : i32
        %get3A_314 = arith.index_cast %get3A_313 : i32 to index
        %get3A_315 = arith.index_cast %scan3A_216 : i32 to index
        %get3A_316 = arith.constant 64 : index
        %get3A_317 = tpu.vector_load %arg9[%get3A_314, %get3A_315, %get3A_316] {strides = array<i32>} : memref<2x40x128xf32, #tpu.memory_space<vmem>>, vector<1x1x16xf32>,
        %get3A_318 = vector.shape_cast %get3A_317 : vector<1x1x16xf32> to vector<16xf32>
        %add3A_319 = arith.addf %get3A_312, %get3A_318 : vector<16xf32>
        %mul3A_320 = arith.constant 5.000000e-01 : f32
        %mul3A_321 = vector.broadcast %mul3A_320 : f32 to vector<16xf32>
        %mul3A_322 = arith.mulf %add3A_319, %mul3A_321 : vector<16xf32>
        %swap3A_323 = arith.constant 0 : i32
        %swap3A_324 = arith.index_cast %swap3A_323 : i32 to index
        %swap3A_325 = arith.index_cast %scan3A_216 : i32 to index
        %swap3A_326 = arith.constant 64 : index
        %swap3A_327 = tpu.vector_load %arg10[%swap3A_324, %swap3A_325, %swap3A_326] {strides = array<i32>} : memref<2x40x128xf32, #tpu.memory_space<vmem>>, vector<1x1x16xf32>,
        %swap3A_328 = vector.shape_cast %swap3A_327 : vector<1x1x16xf32> to vector<16xf32>
        %swap3A_329 = vector.shape_cast %mul3A_322 : vector<16xf32> to vector<1x1x16xf32>
        tpu.vector_store %arg10[%swap3A_324, %swap3A_325, %swap3A_326], %swap3A_329 {strides = array<i32>} : memref<2x40x128xf32, #tpu.memory_space<vmem>>, vector<1x1x16xf32>,
        %get3A_330 = arith.constant 0 : i32
        %get3A_331 = arith.index_cast %get3A_330 : i32 to index
        %get3A_332 = arith.index_cast %scan3A_216 : i32 to index
        %get3A_333 = arith.constant 80 : index
        %get3A_334 = tpu.vector_load %arg8[%get3A_331, %get3A_332, %get3A_333] {strides = array<i32>} : memref<2x40x128xf32, #tpu.memory_space<vmem>>, vector<1x1x16xf32>,
        %get3A_335 = vector.shape_cast %get3A_334 : vector<1x1x16xf32> to vector<16xf32>
        %get3A_336 = arith.constant 0 : i32
        %get3A_337 = arith.index_cast %get3A_336 : i32 to index
        %get3A_338 = arith.index_cast %scan3A_216 : i32 to index
        %get3A_339 = arith.constant 80 : index
        %get3A_340 = tpu.vector_load %arg9[%get3A_337, %get3A_338, %get3A_339] {strides = array<i32>} : memref<2x40x128xf32, #tpu.memory_space<vmem>>, vector<1x1x16xf32>,
        %get3A_341 = vector.shape_cast %get3A_340 : vector<1x1x16xf32> to vector<16xf32>
        %add3A_342 = arith.addf %get3A_335, %get3A_341 : vector<16xf32>
        %mul3A_343 = arith.constant 5.000000e-01 : f32
        %mul3A_344 = vector.broadcast %mul3A_343 : f32 to vector<16xf32>
        %mul3A_345 = arith.mulf %add3A_342, %mul3A_344 : vector<16xf32>
        %swap3A_346 = arith.constant 0 : i32
        %swap3A_347 = arith.index_cast %swap3A_346 : i32 to index
        %swap3A_348 = arith.index_cast %scan3A_216 : i32 to index
        %swap3A_349 = arith.constant 80 : index
        %swap3A_350 = tpu.vector_load %arg10[%swap3A_347, %swap3A_348, %swap3A_349] {strides = array<i32>} : memref<2x40x128xf32, #tpu.memory_space<vmem>>, vector<1x1x16xf32>,
        %swap3A_351 = vector.shape_cast %swap3A_350 : vector<1x1x16xf32> to vector<16xf32>
        %swap3A_352 = vector.shape_cast %mul3A_345 : vector<16xf32> to vector<1x1x16xf32>
        tpu.vector_store %arg10[%swap3A_347, %swap3A_348, %swap3A_349], %swap3A_352 {strides = array<i32>} : memref<2x40x128xf32, #tpu.memory_space<vmem>>, vector<1x1x16xf32>,
        %get3A_353 = arith.constant 0 : i32
        %get3A_354 = arith.index_cast %get3A_353 : i32 to index
        %get3A_355 = arith.index_cast %scan3A_216 : i32 to index
        %get3A_356 = arith.constant 96 : index
        %get3A_357 = tpu.vector_load %arg8[%get3A_354, %get3A_355, %get3A_356] {strides = array<i32>} : memref<2x40x128xf32, #tpu.memory_space<vmem>>, vector<1x1x16xf32>,
        %get3A_358 = vector.shape_cast %get3A_357 : vector<1x1x16xf32> to vector<16xf32>
        %get3A_359 = arith.constant 0 : i32
        %get3A_360 = arith.index_cast %get3A_359 : i32 to index
        %get3A_361 = arith.index_cast %scan3A_216 : i32 to index
        %get3A_362 = arith.constant 96 : index
        %get3A_363 = tpu.vector_load %arg9[%get3A_360, %get3A_361, %get3A_362] {strides = array<i32>} : memref<2x40x128xf32, #tpu.memory_space<vmem>>, vector<1x1x16xf32>,
        %get3A_364 = vector.shape_cast %get3A_363 : vector<1x1x16xf32> to vector<16xf32>
        %add3A_365 = arith.addf %get3A_358, %get3A_364 : vector<16xf32>
        %mul3A_366 = arith.constant 5.000000e-01 : f32
        %mul3A_367 = vector.broadcast %mul3A_366 : f32 to vector<16xf32>
        %mul3A_368 = arith.mulf %add3A_365, %mul3A_367 : vector<16xf32>
        %swap3A_369 = arith.constant 0 : i32
        %swap3A_370 = arith.index_cast %swap3A_369 : i32 to index
        %swap3A_371 = arith.index_cast %scan3A_216 : i32 to index
        %swap3A_372 = arith.constant 96 : index
        %swap3A_373 = tpu.vector_load %arg10[%swap3A_370, %swap3A_371, %swap3A_372] {strides = array<i32>} : memref<2x40x128xf32, #tpu.memory_space<vmem>>, vector<1x1x16xf32>,
        %swap3A_374 = vector.shape_cast %swap3A_373 : vector<1x1x16xf32> to vector<16xf32>
        %swap3A_375 = vector.shape_cast %mul3A_368 : vector<16xf32> to vector<1x1x16xf32>
        tpu.vector_store %arg10[%swap3A_370, %swap3A_371, %swap3A_372], %swap3A_375 {strides = array<i32>} : memref<2x40x128xf32, #tpu.memory_space<vmem>>, vector<1x1x16xf32>,
        %get3A_376 = arith.constant 0 : i32
        %get3A_377 = arith.index_cast %get3A_376 : i32 to index
        %get3A_378 = arith.index_cast %scan3A_216 : i32 to index
        %get3A_379 = arith.constant 112 : index
        %get3A_380 = tpu.vector_load %arg8[%get3A_377, %get3A_378, %get3A_379] {strides = array<i32>} : memref<2x40x128xf32, #tpu.memory_space<vmem>>, vector<1x1x16xf32>,
        %get3A_381 = vector.shape_cast %get3A_380 : vector<1x1x16xf32> to vector<16xf32>
        %get3A_382 = arith.constant 0 : i32
        %get3A_383 = arith.index_cast %get3A_382 : i32 to index
        %get3A_384 = arith.index_cast %scan3A_216 : i32 to index
        %get3A_385 = arith.constant 112 : index
        %get3A_386 = tpu.vector_load %arg9[%get3A_383, %get3A_384, %get3A_385] {strides = array<i32>} : memref<2x40x128xf32, #tpu.memory_space<vmem>>, vector<1x1x16xf32>,
        %get3A_387 = vector.shape_cast %get3A_386 : vector<1x1x16xf32> to vector<16xf32>
        %add3A_388 = arith.addf %get3A_381, %get3A_387 : vector<16xf32>
        %mul3A_389 = arith.constant 5.000000e-01 : f32
        %mul3A_390 = vector.broadcast %mul3A_389 : f32 to vector<16xf32>
        %mul3A_391 = arith.mulf %add3A_388, %mul3A_390 : vector<16xf32>
        %swap3A_392 = arith.constant 0 : i32
        %swap3A_393 = arith.index_cast %swap3A_392 : i32 to index
        %swap3A_394 = arith.index_cast %scan3A_216 : i32 to index
        %swap3A_395 = arith.constant 112 : index
        %swap3A_396 = tpu.vector_load %arg10[%swap3A_393, %swap3A_394, %swap3A_395] {strides = array<i32>} : memref<2x40x128xf32, #tpu.memory_space<vmem>>, vector<1x1x16xf32>,
        %swap3A_397 = vector.shape_cast %swap3A_396 : vector<1x1x16xf32> to vector<16xf32>
        %swap3A_398 = vector.shape_cast %mul3A_391 : vector<16xf32> to vector<1x1x16xf32>
        tpu.vector_store %arg10[%swap3A_393, %swap3A_394, %swap3A_395], %swap3A_398 {strides = array<i32>} : memref<2x40x128xf32, #tpu.memory_space<vmem>>, vector<1x1x16xf32>,
      }
      %scan3A_125 = arith.constant 40 : i32
      %add3A_126 = arith.constant 10000 : i32
      %add3A_127 = arith.addi %add3A_126, %mul3A_4 : i32
      %mul3A_128 = arith.constant 40 : i32
      %mul3A_129 = arith.muli %add3A_86, %mul3A_128 : i32
      %add3A_130 = arith.addi %add3A_127, %mul3A_129 : i32
      %dma_start3A_131 = arith.constant 0 : i32
      %dma_start3A_132 = arith.constant 0 : i32
      %dma_start3A_133 = arith.constant 0 : i32
      %dma_start3A_134 = tpu.memref_slice %arg10[%dma_start3A_131, %dma_start3A_132, %dma_start3A_133] : memref<2x40x128xf32, #tpu.memory_space<vmem>> -> memref<1x40x128xf32, #tpu.memory_space<vmem>>
      %dma_start3A_135 = tpu.memref_squeeze %dma_start3A_134 : memref<1x40x128xf32, #tpu.memory_space<vmem>> -> memref<40x128xf32, #tpu.memory_space<vmem>>
      %dma_start3A_136 = arith.constant 0 : i32
      %dma_start3A_137 = tpu.memref_slice %arg5[%add3A_130, %dma_start3A_136] : memref<330000x128xf32, #tpu.memory_space<hbm>> -> memref<40x128xf32, #tpu.memory_space<hbm>>
      %dma_start3A_138 = arith.constant 0 : i32
      %dma_start3A_139 = tpu.memref_slice %arg5[%add3A_130, %dma_start3A_138] : memref<330000x128xf32, #tpu.memory_space<hbm>> -> memref<40x128xf32, #tpu.memory_space<hbm>>
      %dma_start3A_140 = arith.constant 0 : i32
      %dma_start3A_141 = arith.constant 0 : i32
      %dma_start3A_142 = tpu.memref_slice %arg10[%dma_start3A_131, %dma_start3A_140, %dma_start3A_141] : memref<2x40x128xf32, #tpu.memory_space<vmem>> -> memref<1x40x128xf32, #tpu.memory_space<vmem>>
      %dma_start3A_143 = tpu.memref_squeeze %dma_start3A_142 : memref<1x40x128xf32, #tpu.memory_space<vmem>> -> memref<40x128xf32, #tpu.memory_space<vmem>>
      tpu.enqueue_dma source(%dma_start3A_143 : memref<40x128xf32, #tpu.memory_space<vmem>>) target(%dma_start3A_139 : memref<40x128xf32, #tpu.memory_space<hbm>>) target_semaphore(%arg13 : memref<!tpu.dma_semaphore, #tpu.memory_space<semaphore_mem>>)
      %lt3A_144 = arith.constant 124 : i32
      %lt3A_145 = arith.cmpi slt, %scan3A_82, %lt3A_144 : i32
      %convert_element_type3A_146 = arith.extui %lt3A_145 : i1 to i32
      %cond3A_147 = arith.constant 0 : i32
      %cond3A_148 = arith.cmpi ne, %convert_element_type3A_146, %cond3A_147 : i32
      scf.if %cond3A_148 {
        %add3A_216 = arith.constant 2 : i32
        %add3A_217 = arith.addi %add3A_86, %add3A_216 : i32
        %mul3A_218 = arith.constant 40 : i32
        %mul3A_219 = arith.muli %add3A_217, %mul3A_218 : i32
        %dma_start3A_220 = arith.constant 0 : i32
        %dma_start3A_221 = arith.constant 0 : i32
        %dma_start3A_222 = arith.constant 0 : i32
        %dma_start3A_223 = tpu.memref_slice %arg8[%dma_start3A_220, %dma_start3A_221, %dma_start3A_222] : memref<2x40x128xf32, #tpu.memory_space<vmem>> -> memref<1x40x128xf32, #tpu.memory_space<vmem>>
        %dma_start3A_224 = tpu.memref_squeeze %dma_start3A_223 : memref<1x40x128xf32, #tpu.memory_space<vmem>> -> memref<40x128xf32, #tpu.memory_space<vmem>>
        %dma_start3A_225 = tpu.memref_slice %arg6[%mul3A_219] : memref<10000xi32, #tpu.memory_space<vmem>> -> memref<40xi32, #tpu.memory_space<vmem>>
        %dma_start3A_226 = arith.constant 0 : i32
        %dma_start3A_227 = arith.constant 0 : i32
        %dma_start3A_228 = tpu.memref_slice %arg2[%dma_start3A_226, %dma_start3A_227] : memref<10000x128xf32, #tpu.memory_space<hbm>> -> memref<10000x128xf32, #tpu.memory_space<hbm>>
        tpu.enqueue_indirect_dma source(%dma_start3A_228 : memref<10000x128xf32, #tpu.memory_space<hbm>>) target(%dma_start3A_224 : memref<40x128xf32, #tpu.memory_space<vmem>>) offsets(%dma_start3A_225 : memref<40xi32, #tpu.memory_space<vmem>>) semaphore(%arg11 : memref<!tpu.dma_semaphore, #tpu.memory_space<semaphore_mem>>)
        %dma_start3A_229 = arith.constant 0 : i32
        %dma_start3A_230 = arith.constant 0 : i32
        %dma_start3A_231 = arith.constant 0 : i32
        %dma_start3A_232 = tpu.memref_slice %arg9[%dma_start3A_229, %dma_start3A_230, %dma_start3A_231] : memref<2x40x128xf32, #tpu.memory_space<vmem>> -> memref<1x40x128xf32, #tpu.memory_space<vmem>>
        %dma_start3A_233 = tpu.memref_squeeze %dma_start3A_232 : memref<1x40x128xf32, #tpu.memory_space<vmem>> -> memref<40x128xf32, #tpu.memory_space<vmem>>
        %dma_start3A_234 = tpu.memref_slice %arg7[%mul3A_219] : memref<10000xi32, #tpu.memory_space<vmem>> -> memref<40xi32, #tpu.memory_space<vmem>>
        %dma_start3A_235 = arith.constant 0 : i32
        %dma_start3A_236 = arith.constant 0 : i32
        %dma_start3A_237 = tpu.memref_slice %arg2[%dma_start3A_235, %dma_start3A_236] : memref<10000x128xf32, #tpu.memory_space<hbm>> -> memref<10000x128xf32, #tpu.memory_space<hbm>>
        tpu.enqueue_indirect_dma source(%dma_start3A_237 : memref<10000x128xf32, #tpu.memory_space<hbm>>) target(%dma_start3A_233 : memref<40x128xf32, #tpu.memory_space<vmem>>) offsets(%dma_start3A_234 : memref<40xi32, #tpu.memory_space<vmem>>) semaphore(%arg11 : memref<!tpu.dma_semaphore, #tpu.memory_space<semaphore_mem>>)
      } else {
      }
      %mul3A_149 = arith.constant 2 : i32
      %mul3A_150 = arith.muli %mul3A_149, %scan3A_82 : i32
      %add3A_151 = arith.constant 1 : i32
      %add3A_152 = arith.addi %mul3A_150, %add3A_151 : i32
      %dma_wait3A_153 = arith.constant 1 : i32
      %dma_wait3A_154 = arith.constant 0 : i32
      %dma_wait3A_155 = arith.constant 0 : i32
      %dma_wait3A_156 = tpu.memref_slice %arg8[%dma_wait3A_153, %dma_wait3A_154, %dma_wait3A_155] : memref<2x40x128xf32, #tpu.memory_space<vmem>> -> memref<1x40x128xf32, #tpu.memory_space<vmem>>
      %dma_wait3A_157 = tpu.memref_squeeze %dma_wait3A_156 : memref<1x40x128xf32, #tpu.memory_space<vmem>> -> memref<40x128xf32, #tpu.memory_space<vmem>>
      %dma_wait3A_158 = arith.constant 0 : i32
      %dma_wait3A_159 = arith.constant 0 : i32
      %dma_wait3A_160 = tpu.memref_slice %arg2[%dma_wait3A_158, %dma_wait3A_159] : memref<10000x128xf32, #tpu.memory_space<hbm>> -> memref<40x128xf32, #tpu.memory_space<hbm>>
      %dma_wait3A_161 = arith.constant 0 : i32
      %dma_wait3A_162 = arith.constant 0 : i32
      %dma_wait3A_163 = tpu.memref_slice %arg8[%dma_wait3A_153, %dma_wait3A_161, %dma_wait3A_162] : memref<2x40x128xf32, #tpu.memory_space<vmem>> -> memref<1x40x128xf32, #tpu.memory_space<vmem>>
      %dma_wait3A_164 = tpu.memref_squeeze %dma_wait3A_163 : memref<1x40x128xf32, #tpu.memory_space<vmem>> -> memref<40x128xf32, #tpu.memory_space<vmem>>
      %dma_wait3A_165 = arith.constant 0 : i32
      %dma_wait3A_166 = arith.constant 0 : i32
      %dma_wait3A_167 = tpu.memref_slice %arg2[%dma_wait3A_165, %dma_wait3A_166] : memref<10000x128xf32, #tpu.memory_space<hbm>> -> memref<40x128xf32, #tpu.memory_space<hbm>>
      tpu.wait_dma2 semaphore(%arg12 : memref<!tpu.dma_semaphore, #tpu.memory_space<semaphore_mem>>) src(%dma_wait3A_167 : memref<40x128xf32, #tpu.memory_space<hbm>>) dst(%dma_wait3A_164 : memref<40x128xf32, #tpu.memory_space<vmem>>)
      %dma_wait3A_168 = arith.constant 1 : i32
      %dma_wait3A_169 = arith.constant 0 : i32
      %dma_wait3A_170 = arith.constant 0 : i32
      %dma_wait3A_171 = tpu.memref_slice %arg9[%dma_wait3A_168, %dma_wait3A_169, %dma_wait3A_170] : memref<2x40x128xf32, #tpu.memory_space<vmem>> -> memref<1x40x128xf32, #tpu.memory_space<vmem>>
      %dma_wait3A_172 = tpu.memref_squeeze %dma_wait3A_171 : memref<1x40x128xf32, #tpu.memory_space<vmem>> -> memref<40x128xf32, #tpu.memory_space<vmem>>
      %dma_wait3A_173 = arith.constant 0 : i32
      %dma_wait3A_174 = arith.constant 0 : i32
      %dma_wait3A_175 = tpu.memref_slice %arg2[%dma_wait3A_173, %dma_wait3A_174] : memref<10000x128xf32, #tpu.memory_space<hbm>> -> memref<40x128xf32, #tpu.memory_space<hbm>>
      %dma_wait3A_176 = arith.constant 0 : i32
      %dma_wait3A_177 = arith.constant 0 : i32
      %dma_wait3A_178 = tpu.memref_slice %arg9[%dma_wait3A_168, %dma_wait3A_176, %dma_wait3A_177] : memref<2x40x128xf32, #tpu.memory_space<vmem>> -> memref<1x40x128xf32, #tpu.memory_space<vmem>>
      %dma_wait3A_179 = tpu.memref_squeeze %dma_wait3A_178 : memref<1x40x128xf32, #tpu.memory_space<vmem>> -> memref<40x128xf32, #tpu.memory_space<vmem>>
      %dma_wait3A_180 = arith.constant 0 : i32
      %dma_wait3A_181 = arith.constant 0 : i32
      %dma_wait3A_182 = tpu.memref_slice %arg2[%dma_wait3A_180, %dma_wait3A_181] : memref<10000x128xf32, #tpu.memory_space<hbm>> -> memref<40x128xf32, #tpu.memory_space<hbm>>
      tpu.wait_dma2 semaphore(%arg12 : memref<!tpu.dma_semaphore, #tpu.memory_space<semaphore_mem>>) src(%dma_wait3A_182 : memref<40x128xf32, #tpu.memory_space<hbm>>) dst(%dma_wait3A_179 : memref<40x128xf32, #tpu.memory_space<vmem>>)
      %gt3A_183 = arith.constant 0 : i32
      %gt3A_184 = arith.cmpi sgt, %scan3A_82, %gt3A_183 : i32
      %convert_element_type3A_185 = arith.extui %gt3A_184 : i1 to i32
      %cond3A_186 = arith.constant 0 : i32
      %cond3A_187 = arith.cmpi ne, %convert_element_type3A_185, %cond3A_186 : i32
      scf.if %cond3A_187 {
        %dma_wait3A_216 = arith.constant 1 : i32
        %dma_wait3A_217 = arith.constant 0 : i32
        %dma_wait3A_218 = arith.constant 0 : i32
        %dma_wait3A_219 = tpu.memref_slice %arg10[%dma_wait3A_216, %dma_wait3A_217, %dma_wait3A_218] : memref<2x40x128xf32, #tpu.memory_space<vmem>> -> memref<1x40x128xf32, #tpu.memory_space<vmem>>
        %dma_wait3A_220 = tpu.memref_squeeze %dma_wait3A_219 : memref<1x40x128xf32, #tpu.memory_space<vmem>> -> memref<40x128xf32, #tpu.memory_space<vmem>>
        %dma_wait3A_221 = arith.constant 0 : i32
        %dma_wait3A_222 = arith.constant 0 : i32
        %dma_wait3A_223 = tpu.memref_slice %arg2[%dma_wait3A_221, %dma_wait3A_222] : memref<10000x128xf32, #tpu.memory_space<hbm>> -> memref<40x128xf32, #tpu.memory_space<hbm>>
        %dma_wait3A_224 = arith.constant 0 : i32
        %dma_wait3A_225 = arith.constant 0 : i32
        %dma_wait3A_226 = tpu.memref_slice %arg10[%dma_wait3A_216, %dma_wait3A_224, %dma_wait3A_225] : memref<2x40x128xf32, #tpu.memory_space<vmem>> -> memref<1x40x128xf32, #tpu.memory_space<vmem>>
        %dma_wait3A_227 = tpu.memref_squeeze %dma_wait3A_226 : memref<1x40x128xf32, #tpu.memory_space<vmem>> -> memref<40x128xf32, #tpu.memory_space<vmem>>
        %dma_wait3A_228 = arith.constant 0 : i32
        %dma_wait3A_229 = arith.constant 0 : i32
        %dma_wait3A_230 = tpu.memref_slice %arg2[%dma_wait3A_228, %dma_wait3A_229] : memref<10000x128xf32, #tpu.memory_space<hbm>> -> memref<40x128xf32, #tpu.memory_space<hbm>>
        tpu.wait_dma2 semaphore(%arg14 : memref<!tpu.dma_semaphore, #tpu.memory_space<semaphore_mem>>) src(%dma_wait3A_230 : memref<40x128xf32, #tpu.memory_space<hbm>>) dst(%dma_wait3A_227 : memref<40x128xf32, #tpu.memory_space<vmem>>)
      } else {
      }
      %scan3A_188 = arith.constant 0 : i32
      %scan3A_189 = arith.constant 40 : i32
      %scan3A_190 = arith.addi %scan3A_188, %scan3A_189 : i32
      %scan3A_191 = arith.constant 1 : i32
      scf.for %scan3A_216 = %scan3A_188 to %scan3A_190 step %scan3A_191  : i32 {
        %get3A = arith.constant 1 : i32
        %get3A_217 = arith.index_cast %get3A : i32 to index
        %get3A_218 = arith.index_cast %scan3A_216 : i32 to index
        %get3A_219 = arith.constant 0 : index
        %get3A_220 = tpu.vector_load %arg8[%get3A_217, %get3A_218, %get3A_219] {strides = array<i32>} : memref<2x40x128xf32, #tpu.memory_space<vmem>>, vector<1x1x16xf32>,
        %get3A_221 = vector.shape_cast %get3A_220 : vector<1x1x16xf32> to vector<16xf32>
        %get3A_222 = arith.constant 1 : i32
        %get3A_223 = arith.index_cast %get3A_222 : i32 to index
        %get3A_224 = arith.index_cast %scan3A_216 : i32 to index
        %get3A_225 = arith.constant 0 : index
        %get3A_226 = tpu.vector_load %arg9[%get3A_223, %get3A_224, %get3A_225] {strides = array<i32>} : memref<2x40x128xf32, #tpu.memory_space<vmem>>, vector<1x1x16xf32>,
        %get3A_227 = vector.shape_cast %get3A_226 : vector<1x1x16xf32> to vector<16xf32>
        %add3A_228 = arith.addf %get3A_221, %get3A_227 : vector<16xf32>
        %mul3A_229 = arith.constant 5.000000e-01 : f32
        %mul3A_230 = vector.broadcast %mul3A_229 : f32 to vector<16xf32>
        %mul3A_231 = arith.mulf %add3A_228, %mul3A_230 : vector<16xf32>
        %swap3A = arith.constant 1 : i32
        %swap3A_232 = arith.index_cast %swap3A : i32 to index
        %swap3A_233 = arith.index_cast %scan3A_216 : i32 to index
        %swap3A_234 = arith.constant 0 : index
        %swap3A_235 = tpu.vector_load %arg10[%swap3A_232, %swap3A_233, %swap3A_234] {strides = array<i32>} : memref<2x40x128xf32, #tpu.memory_space<vmem>>, vector<1x1x16xf32>,
        %swap3A_236 = vector.shape_cast %swap3A_235 : vector<1x1x16xf32> to vector<16xf32>
        %swap3A_237 = vector.shape_cast %mul3A_231 : vector<16xf32> to vector<1x1x16xf32>
        tpu.vector_store %arg10[%swap3A_232, %swap3A_233, %swap3A_234], %swap3A_237 {strides = array<i32>} : memref<2x40x128xf32, #tpu.memory_space<vmem>>, vector<1x1x16xf32>,
        %get3A_238 = arith.constant 1 : i32
        %get3A_239 = arith.index_cast %get3A_238 : i32 to index
        %get3A_240 = arith.index_cast %scan3A_216 : i32 to index
        %get3A_241 = arith.constant 16 : index
        %get3A_242 = tpu.vector_load %arg8[%get3A_239, %get3A_240, %get3A_241] {strides = array<i32>} : memref<2x40x128xf32, #tpu.memory_space<vmem>>, vector<1x1x16xf32>,
        %get3A_243 = vector.shape_cast %get3A_242 : vector<1x1x16xf32> to vector<16xf32>
        %get3A_244 = arith.constant 1 : i32
        %get3A_245 = arith.index_cast %get3A_244 : i32 to index
        %get3A_246 = arith.index_cast %scan3A_216 : i32 to index
        %get3A_247 = arith.constant 16 : index
        %get3A_248 = tpu.vector_load %arg9[%get3A_245, %get3A_246, %get3A_247] {strides = array<i32>} : memref<2x40x128xf32, #tpu.memory_space<vmem>>, vector<1x1x16xf32>,
        %get3A_249 = vector.shape_cast %get3A_248 : vector<1x1x16xf32> to vector<16xf32>
        %add3A_250 = arith.addf %get3A_243, %get3A_249 : vector<16xf32>
        %mul3A_251 = arith.constant 5.000000e-01 : f32
        %mul3A_252 = vector.broadcast %mul3A_251 : f32 to vector<16xf32>
        %mul3A_253 = arith.mulf %add3A_250, %mul3A_252 : vector<16xf32>
        %swap3A_254 = arith.constant 1 : i32
        %swap3A_255 = arith.index_cast %swap3A_254 : i32 to index
        %swap3A_256 = arith.index_cast %scan3A_216 : i32 to index
        %swap3A_257 = arith.constant 16 : index
        %swap3A_258 = tpu.vector_load %arg10[%swap3A_255, %swap3A_256, %swap3A_257] {strides = array<i32>} : memref<2x40x128xf32, #tpu.memory_space<vmem>>, vector<1x1x16xf32>,
        %swap3A_259 = vector.shape_cast %swap3A_258 : vector<1x1x16xf32> to vector<16xf32>
        %swap3A_260 = vector.shape_cast %mul3A_253 : vector<16xf32> to vector<1x1x16xf32>
        tpu.vector_store %arg10[%swap3A_255, %swap3A_256, %swap3A_257], %swap3A_260 {strides = array<i32>} : memref<2x40x128xf32, #tpu.memory_space<vmem>>, vector<1x1x16xf32>,
        %get3A_261 = arith.constant 1 : i32
        %get3A_262 = arith.index_cast %get3A_261 : i32 to index
        %get3A_263 = arith.index_cast %scan3A_216 : i32 to index
        %get3A_264 = arith.constant 32 : index
        %get3A_265 = tpu.vector_load %arg8[%get3A_262, %get3A_263, %get3A_264] {strides = array<i32>} : memref<2x40x128xf32, #tpu.memory_space<vmem>>, vector<1x1x16xf32>,
        %get3A_266 = vector.shape_cast %get3A_265 : vector<1x1x16xf32> to vector<16xf32>
        %get3A_267 = arith.constant 1 : i32
        %get3A_268 = arith.index_cast %get3A_267 : i32 to index
        %get3A_269 = arith.index_cast %scan3A_216 : i32 to index
        %get3A_270 = arith.constant 32 : index
        %get3A_271 = tpu.vector_load %arg9[%get3A_268, %get3A_269, %get3A_270] {strides = array<i32>} : memref<2x40x128xf32, #tpu.memory_space<vmem>>, vector<1x1x16xf32>,
        %get3A_272 = vector.shape_cast %get3A_271 : vector<1x1x16xf32> to vector<16xf32>
        %add3A_273 = arith.addf %get3A_266, %get3A_272 : vector<16xf32>
        %mul3A_274 = arith.constant 5.000000e-01 : f32
        %mul3A_275 = vector.broadcast %mul3A_274 : f32 to vector<16xf32>
        %mul3A_276 = arith.mulf %add3A_273, %mul3A_275 : vector<16xf32>
        %swap3A_277 = arith.constant 1 : i32
        %swap3A_278 = arith.index_cast %swap3A_277 : i32 to index
        %swap3A_279 = arith.index_cast %scan3A_216 : i32 to index
        %swap3A_280 = arith.constant 32 : index
        %swap3A_281 = tpu.vector_load %arg10[%swap3A_278, %swap3A_279, %swap3A_280] {strides = array<i32>} : memref<2x40x128xf32, #tpu.memory_space<vmem>>, vector<1x1x16xf32>,
        %swap3A_282 = vector.shape_cast %swap3A_281 : vector<1x1x16xf32> to vector<16xf32>
        %swap3A_283 = vector.shape_cast %mul3A_276 : vector<16xf32> to vector<1x1x16xf32>
        tpu.vector_store %arg10[%swap3A_278, %swap3A_279, %swap3A_280], %swap3A_283 {strides = array<i32>} : memref<2x40x128xf32, #tpu.memory_space<vmem>>, vector<1x1x16xf32>,
        %get3A_284 = arith.constant 1 : i32
        %get3A_285 = arith.index_cast %get3A_284 : i32 to index
        %get3A_286 = arith.index_cast %scan3A_216 : i32 to index
        %get3A_287 = arith.constant 48 : index
        %get3A_288 = tpu.vector_load %arg8[%get3A_285, %get3A_286, %get3A_287] {strides = array<i32>} : memref<2x40x128xf32, #tpu.memory_space<vmem>>, vector<1x1x16xf32>,
        %get3A_289 = vector.shape_cast %get3A_288 : vector<1x1x16xf32> to vector<16xf32>
        %get3A_290 = arith.constant 1 : i32
        %get3A_291 = arith.index_cast %get3A_290 : i32 to index
        %get3A_292 = arith.index_cast %scan3A_216 : i32 to index
        %get3A_293 = arith.constant 48 : index
        %get3A_294 = tpu.vector_load %arg9[%get3A_291, %get3A_292, %get3A_293] {strides = array<i32>} : memref<2x40x128xf32, #tpu.memory_space<vmem>>, vector<1x1x16xf32>,
        %get3A_295 = vector.shape_cast %get3A_294 : vector<1x1x16xf32> to vector<16xf32>
        %add3A_296 = arith.addf %get3A_289, %get3A_295 : vector<16xf32>
        %mul3A_297 = arith.constant 5.000000e-01 : f32
        %mul3A_298 = vector.broadcast %mul3A_297 : f32 to vector<16xf32>
        %mul3A_299 = arith.mulf %add3A_296, %mul3A_298 : vector<16xf32>
        %swap3A_300 = arith.constant 1 : i32
        %swap3A_301 = arith.index_cast %swap3A_300 : i32 to index
        %swap3A_302 = arith.index_cast %scan3A_216 : i32 to index
        %swap3A_303 = arith.constant 48 : index
        %swap3A_304 = tpu.vector_load %arg10[%swap3A_301, %swap3A_302, %swap3A_303] {strides = array<i32>} : memref<2x40x128xf32, #tpu.memory_space<vmem>>, vector<1x1x16xf32>,
        %swap3A_305 = vector.shape_cast %swap3A_304 : vector<1x1x16xf32> to vector<16xf32>
        %swap3A_306 = vector.shape_cast %mul3A_299 : vector<16xf32> to vector<1x1x16xf32>
        tpu.vector_store %arg10[%swap3A_301, %swap3A_302, %swap3A_303], %swap3A_306 {strides = array<i32>} : memref<2x40x128xf32, #tpu.memory_space<vmem>>, vector<1x1x16xf32>,
        %get3A_307 = arith.constant 1 : i32
        %get3A_308 = arith.index_cast %get3A_307 : i32 to index
        %get3A_309 = arith.index_cast %scan3A_216 : i32 to index
        %get3A_310 = arith.constant 64 : index
        %get3A_311 = tpu.vector_load %arg8[%get3A_308, %get3A_309, %get3A_310] {strides = array<i32>} : memref<2x40x128xf32, #tpu.memory_space<vmem>>, vector<1x1x16xf32>,
        %get3A_312 = vector.shape_cast %get3A_311 : vector<1x1x16xf32> to vector<16xf32>
        %get3A_313 = arith.constant 1 : i32
        %get3A_314 = arith.index_cast %get3A_313 : i32 to index
        %get3A_315 = arith.index_cast %scan3A_216 : i32 to index
        %get3A_316 = arith.constant 64 : index
        %get3A_317 = tpu.vector_load %arg9[%get3A_314, %get3A_315, %get3A_316] {strides = array<i32>} : memref<2x40x128xf32, #tpu.memory_space<vmem>>, vector<1x1x16xf32>,
        %get3A_318 = vector.shape_cast %get3A_317 : vector<1x1x16xf32> to vector<16xf32>
        %add3A_319 = arith.addf %get3A_312, %get3A_318 : vector<16xf32>
        %mul3A_320 = arith.constant 5.000000e-01 : f32
        %mul3A_321 = vector.broadcast %mul3A_320 : f32 to vector<16xf32>
        %mul3A_322 = arith.mulf %add3A_319, %mul3A_321 : vector<16xf32>
        %swap3A_323 = arith.constant 1 : i32
        %swap3A_324 = arith.index_cast %swap3A_323 : i32 to index
        %swap3A_325 = arith.index_cast %scan3A_216 : i32 to index
        %swap3A_326 = arith.constant 64 : index
        %swap3A_327 = tpu.vector_load %arg10[%swap3A_324, %swap3A_325, %swap3A_326] {strides = array<i32>} : memref<2x40x128xf32, #tpu.memory_space<vmem>>, vector<1x1x16xf32>,
        %swap3A_328 = vector.shape_cast %swap3A_327 : vector<1x1x16xf32> to vector<16xf32>
        %swap3A_329 = vector.shape_cast %mul3A_322 : vector<16xf32> to vector<1x1x16xf32>
        tpu.vector_store %arg10[%swap3A_324, %swap3A_325, %swap3A_326], %swap3A_329 {strides = array<i32>} : memref<2x40x128xf32, #tpu.memory_space<vmem>>, vector<1x1x16xf32>,
        %get3A_330 = arith.constant 1 : i32
        %get3A_331 = arith.index_cast %get3A_330 : i32 to index
        %get3A_332 = arith.index_cast %scan3A_216 : i32 to index
        %get3A_333 = arith.constant 80 : index
        %get3A_334 = tpu.vector_load %arg8[%get3A_331, %get3A_332, %get3A_333] {strides = array<i32>} : memref<2x40x128xf32, #tpu.memory_space<vmem>>, vector<1x1x16xf32>,
        %get3A_335 = vector.shape_cast %get3A_334 : vector<1x1x16xf32> to vector<16xf32>
        %get3A_336 = arith.constant 1 : i32
        %get3A_337 = arith.index_cast %get3A_336 : i32 to index
        %get3A_338 = arith.index_cast %scan3A_216 : i32 to index
        %get3A_339 = arith.constant 80 : index
        %get3A_340 = tpu.vector_load %arg9[%get3A_337, %get3A_338, %get3A_339] {strides = array<i32>} : memref<2x40x128xf32, #tpu.memory_space<vmem>>, vector<1x1x16xf32>,
        %get3A_341 = vector.shape_cast %get3A_340 : vector<1x1x16xf32> to vector<16xf32>
        %add3A_342 = arith.addf %get3A_335, %get3A_341 : vector<16xf32>
        %mul3A_343 = arith.constant 5.000000e-01 : f32
        %mul3A_344 = vector.broadcast %mul3A_343 : f32 to vector<16xf32>
        %mul3A_345 = arith.mulf %add3A_342, %mul3A_344 : vector<16xf32>
        %swap3A_346 = arith.constant 1 : i32
        %swap3A_347 = arith.index_cast %swap3A_346 : i32 to index
        %swap3A_348 = arith.index_cast %scan3A_216 : i32 to index
        %swap3A_349 = arith.constant 80 : index
        %swap3A_350 = tpu.vector_load %arg10[%swap3A_347, %swap3A_348, %swap3A_349] {strides = array<i32>} : memref<2x40x128xf32, #tpu.memory_space<vmem>>, vector<1x1x16xf32>,
        %swap3A_351 = vector.shape_cast %swap3A_350 : vector<1x1x16xf32> to vector<16xf32>
        %swap3A_352 = vector.shape_cast %mul3A_345 : vector<16xf32> to vector<1x1x16xf32>
        tpu.vector_store %arg10[%swap3A_347, %swap3A_348, %swap3A_349], %swap3A_352 {strides = array<i32>} : memref<2x40x128xf32, #tpu.memory_space<vmem>>, vector<1x1x16xf32>,
        %get3A_353 = arith.constant 1 : i32
        %get3A_354 = arith.index_cast %get3A_353 : i32 to index
        %get3A_355 = arith.index_cast %scan3A_216 : i32 to index
        %get3A_356 = arith.constant 96 : index
        %get3A_357 = tpu.vector_load %arg8[%get3A_354, %get3A_355, %get3A_356] {strides = array<i32>} : memref<2x40x128xf32, #tpu.memory_space<vmem>>, vector<1x1x16xf32>,
        %get3A_358 = vector.shape_cast %get3A_357 : vector<1x1x16xf32> to vector<16xf32>
        %get3A_359 = arith.constant 1 : i32
        %get3A_360 = arith.index_cast %get3A_359 : i32 to index
        %get3A_361 = arith.index_cast %scan3A_216 : i32 to index
        %get3A_362 = arith.constant 96 : index
        %get3A_363 = tpu.vector_load %arg9[%get3A_360, %get3A_361, %get3A_362] {strides = array<i32>} : memref<2x40x128xf32, #tpu.memory_space<vmem>>, vector<1x1x16xf32>,
        %get3A_364 = vector.shape_cast %get3A_363 : vector<1x1x16xf32> to vector<16xf32>
        %add3A_365 = arith.addf %get3A_358, %get3A_364 : vector<16xf32>
        %mul3A_366 = arith.constant 5.000000e-01 : f32
        %mul3A_367 = vector.broadcast %mul3A_366 : f32 to vector<16xf32>
        %mul3A_368 = arith.mulf %add3A_365, %mul3A_367 : vector<16xf32>
        %swap3A_369 = arith.constant 1 : i32
        %swap3A_370 = arith.index_cast %swap3A_369 : i32 to index
        %swap3A_371 = arith.index_cast %scan3A_216 : i32 to index
        %swap3A_372 = arith.constant 96 : index
        %swap3A_373 = tpu.vector_load %arg10[%swap3A_370, %swap3A_371, %swap3A_372] {strides = array<i32>} : memref<2x40x128xf32, #tpu.memory_space<vmem>>, vector<1x1x16xf32>,
        %swap3A_374 = vector.shape_cast %swap3A_373 : vector<1x1x16xf32> to vector<16xf32>
        %swap3A_375 = vector.shape_cast %mul3A_368 : vector<16xf32> to vector<1x1x16xf32>
        tpu.vector_store %arg10[%swap3A_370, %swap3A_371, %swap3A_372], %swap3A_375 {strides = array<i32>} : memref<2x40x128xf32, #tpu.memory_space<vmem>>, vector<1x1x16xf32>,
        %get3A_376 = arith.constant 1 : i32
        %get3A_377 = arith.index_cast %get3A_376 : i32 to index
        %get3A_378 = arith.index_cast %scan3A_216 : i32 to index
        %get3A_379 = arith.constant 112 : index
        %get3A_380 = tpu.vector_load %arg8[%get3A_377, %get3A_378, %get3A_379] {strides = array<i32>} : memref<2x40x128xf32, #tpu.memory_space<vmem>>, vector<1x1x16xf32>,
        %get3A_381 = vector.shape_cast %get3A_380 : vector<1x1x16xf32> to vector<16xf32>
        %get3A_382 = arith.constant 1 : i32
        %get3A_383 = arith.index_cast %get3A_382 : i32 to index
        %get3A_384 = arith.index_cast %scan3A_216 : i32 to index
        %get3A_385 = arith.constant 112 : index
        %get3A_386 = tpu.vector_load %arg9[%get3A_383, %get3A_384, %get3A_385] {strides = array<i32>} : memref<2x40x128xf32, #tpu.memory_space<vmem>>, vector<1x1x16xf32>,
        %get3A_387 = vector.shape_cast %get3A_386 : vector<1x1x16xf32> to vector<16xf32>
        %add3A_388 = arith.addf %get3A_381, %get3A_387 : vector<16xf32>
        %mul3A_389 = arith.constant 5.000000e-01 : f32
        %mul3A_390 = vector.broadcast %mul3A_389 : f32 to vector<16xf32>
        %mul3A_391 = arith.mulf %add3A_388, %mul3A_390 : vector<16xf32>
        %swap3A_392 = arith.constant 1 : i32
        %swap3A_393 = arith.index_cast %swap3A_392 : i32 to index
        %swap3A_394 = arith.index_cast %scan3A_216 : i32 to index
        %swap3A_395 = arith.constant 112 : index
        %swap3A_396 = tpu.vector_load %arg10[%swap3A_393, %swap3A_394, %swap3A_395] {strides = array<i32>} : memref<2x40x128xf32, #tpu.memory_space<vmem>>, vector<1x1x16xf32>,
        %swap3A_397 = vector.shape_cast %swap3A_396 : vector<1x1x16xf32> to vector<16xf32>
        %swap3A_398 = vector.shape_cast %mul3A_391 : vector<16xf32> to vector<1x1x16xf32>
        tpu.vector_store %arg10[%swap3A_393, %swap3A_394, %swap3A_395], %swap3A_398 {strides = array<i32>} : memref<2x40x128xf32, #tpu.memory_space<vmem>>, vector<1x1x16xf32>,
      }
      %scan3A_192 = arith.constant 40 : i32
      %add3A_193 = arith.constant 10000 : i32
      %add3A_194 = arith.addi %add3A_193, %mul3A_4 : i32
      %mul3A_195 = arith.constant 40 : i32
      %mul3A_196 = arith.muli %add3A_152, %mul3A_195 : i32
      %add3A_197 = arith.addi %add3A_194, %mul3A_196 : i32
      %dma_start3A_198 = arith.constant 1 : i32
      %dma_start3A_199 = arith.constant 0 : i32
      %dma_start3A_200 = arith.constant 0 : i32
      %dma_start3A_201 = tpu.memref_slice %arg10[%dma_start3A_198, %dma_start3A_199, %dma_start3A_200] : memref<2x40x128xf32, #tpu.memory_space<vmem>> -> memref<1x40x128xf32, #tpu.memory_space<vmem>>
      %dma_start3A_202 = tpu.memref_squeeze %dma_start3A_201 : memref<1x40x128xf32, #tpu.memory_space<vmem>> -> memref<40x128xf32, #tpu.memory_space<vmem>>
      %dma_start3A_203 = arith.constant 0 : i32
      %dma_start3A_204 = tpu.memref_slice %arg5[%add3A_197, %dma_start3A_203] : memref<330000x128xf32, #tpu.memory_space<hbm>> -> memref<40x128xf32, #tpu.memory_space<hbm>>
      %dma_start3A_205 = arith.constant 0 : i32
      %dma_start3A_206 = tpu.memref_slice %arg5[%add3A_197, %dma_start3A_205] : memref<330000x128xf32, #tpu.memory_space<hbm>> -> memref<40x128xf32, #tpu.memory_space<hbm>>
      %dma_start3A_207 = arith.constant 0 : i32
      %dma_start3A_208 = arith.constant 0 : i32
      %dma_start3A_209 = tpu.memref_slice %arg10[%dma_start3A_198, %dma_start3A_207, %dma_start3A_208] : memref<2x40x128xf32, #tpu.memory_space<vmem>> -> memref<1x40x128xf32, #tpu.memory_space<vmem>>
      %dma_start3A_210 = tpu.memref_squeeze %dma_start3A_209 : memref<1x40x128xf32, #tpu.memory_space<vmem>> -> memref<40x128xf32, #tpu.memory_space<vmem>>
      tpu.enqueue_dma source(%dma_start3A_210 : memref<40x128xf32, #tpu.memory_space<vmem>>) target(%dma_start3A_206 : memref<40x128xf32, #tpu.memory_space<hbm>>) target_semaphore(%arg14 : memref<!tpu.dma_semaphore, #tpu.memory_space<semaphore_mem>>)
      %lt3A_211 = arith.constant 124 : i32
      %lt3A_212 = arith.cmpi slt, %scan3A_82, %lt3A_211 : i32
      %convert_element_type3A_213 = arith.extui %lt3A_212 : i1 to i32
      %cond3A_214 = arith.constant 0 : i32
      %cond3A_215 = arith.cmpi ne, %convert_element_type3A_213, %cond3A_214 : i32
      scf.if %cond3A_215 {
        %add3A_216 = arith.constant 2 : i32
        %add3A_217 = arith.addi %add3A_152, %add3A_216 : i32
        %mul3A_218 = arith.constant 40 : i32
        %mul3A_219 = arith.muli %add3A_217, %mul3A_218 : i32
        %dma_start3A_220 = arith.constant 1 : i32
        %dma_start3A_221 = arith.constant 0 : i32
        %dma_start3A_222 = arith.constant 0 : i32
        %dma_start3A_223 = tpu.memref_slice %arg8[%dma_start3A_220, %dma_start3A_221, %dma_start3A_222] : memref<2x40x128xf32, #tpu.memory_space<vmem>> -> memref<1x40x128xf32, #tpu.memory_space<vmem>>
        %dma_start3A_224 = tpu.memref_squeeze %dma_start3A_223 : memref<1x40x128xf32, #tpu.memory_space<vmem>> -> memref<40x128xf32, #tpu.memory_space<vmem>>
        %dma_start3A_225 = tpu.memref_slice %arg6[%mul3A_219] : memref<10000xi32, #tpu.memory_space<vmem>> -> memref<40xi32, #tpu.memory_space<vmem>>
        %dma_start3A_226 = arith.constant 0 : i32
        %dma_start3A_227 = arith.constant 0 : i32
        %dma_start3A_228 = tpu.memref_slice %arg2[%dma_start3A_226, %dma_start3A_227] : memref<10000x128xf32, #tpu.memory_space<hbm>> -> memref<10000x128xf32, #tpu.memory_space<hbm>>
        tpu.enqueue_indirect_dma source(%dma_start3A_228 : memref<10000x128xf32, #tpu.memory_space<hbm>>) target(%dma_start3A_224 : memref<40x128xf32, #tpu.memory_space<vmem>>) offsets(%dma_start3A_225 : memref<40xi32, #tpu.memory_space<vmem>>) semaphore(%arg12 : memref<!tpu.dma_semaphore, #tpu.memory_space<semaphore_mem>>)
        %dma_start3A_229 = arith.constant 1 : i32
        %dma_start3A_230 = arith.constant 0 : i32
        %dma_start3A_231 = arith.constant 0 : i32
        %dma_start3A_232 = tpu.memref_slice %arg9[%dma_start3A_229, %dma_start3A_230, %dma_start3A_231] : memref<2x40x128xf32, #tpu.memory_space<vmem>> -> memref<1x40x128xf32, #tpu.memory_space<vmem>>
        %dma_start3A_233 = tpu.memref_squeeze %dma_start3A_232 : memref<1x40x128xf32, #tpu.memory_space<vmem>> -> memref<40x128xf32, #tpu.memory_space<vmem>>
        %dma_start3A_234 = tpu.memref_slice %arg7[%mul3A_219] : memref<10000xi32, #tpu.memory_space<vmem>> -> memref<40xi32, #tpu.memory_space<vmem>>
        %dma_start3A_235 = arith.constant 0 : i32
        %dma_start3A_236 = arith.constant 0 : i32
        %dma_start3A_237 = tpu.memref_slice %arg2[%dma_start3A_235, %dma_start3A_236] : memref<10000x128xf32, #tpu.memory_space<hbm>> -> memref<10000x128xf32, #tpu.memory_space<hbm>>
        tpu.enqueue_indirect_dma source(%dma_start3A_237 : memref<10000x128xf32, #tpu.memory_space<hbm>>) target(%dma_start3A_233 : memref<40x128xf32, #tpu.memory_space<vmem>>) offsets(%dma_start3A_234 : memref<40xi32, #tpu.memory_space<vmem>>) semaphore(%arg12 : memref<!tpu.dma_semaphore, #tpu.memory_space<semaphore_mem>>)
      } else {
      }
    }
    %scan3A_47 = arith.constant 125 : i32
    %dma_wait3A = arith.constant 0 : i32
    %dma_wait3A_48 = arith.constant 0 : i32
    %dma_wait3A_49 = arith.constant 0 : i32
    %dma_wait3A_50 = tpu.memref_slice %arg10[%dma_wait3A, %dma_wait3A_48, %dma_wait3A_49] : memref<2x40x128xf32, #tpu.memory_space<vmem>> -> memref<1x40x128xf32, #tpu.memory_space<vmem>>
    %dma_wait3A_51 = tpu.memref_squeeze %dma_wait3A_50 : memref<1x40x128xf32, #tpu.memory_space<vmem>> -> memref<40x128xf32, #tpu.memory_space<vmem>>
    %dma_wait3A_52 = arith.constant 0 : i32
    %dma_wait3A_53 = arith.constant 0 : i32
    %dma_wait3A_54 = tpu.memref_slice %arg2[%dma_wait3A_52, %dma_wait3A_53] : memref<10000x128xf32, #tpu.memory_space<hbm>> -> memref<40x128xf32, #tpu.memory_space<hbm>>
    %dma_wait3A_55 = arith.constant 0 : i32
    %dma_wait3A_56 = arith.constant 0 : i32
    %dma_wait3A_57 = tpu.memref_slice %arg10[%dma_wait3A, %dma_wait3A_55, %dma_wait3A_56] : memref<2x40x128xf32, #tpu.memory_space<vmem>> -> memref<1x40x128xf32, #tpu.memory_space<vmem>>
    %dma_wait3A_58 = tpu.memref_squeeze %dma_wait3A_57 : memref<1x40x128xf32, #tpu.memory_space<vmem>> -> memref<40x128xf32, #tpu.memory_space<vmem>>
    %dma_wait3A_59 = arith.constant 0 : i32
    %dma_wait3A_60 = arith.constant 0 : i32
    %dma_wait3A_61 = tpu.memref_slice %arg2[%dma_wait3A_59, %dma_wait3A_60] : memref<10000x128xf32, #tpu.memory_space<hbm>> -> memref<40x128xf32, #tpu.memory_space<hbm>>
    tpu.wait_dma2 semaphore(%arg13 : memref<!tpu.dma_semaphore, #tpu.memory_space<semaphore_mem>>) src(%dma_wait3A_61 : memref<40x128xf32, #tpu.memory_space<hbm>>) dst(%dma_wait3A_58 : memref<40x128xf32, #tpu.memory_space<vmem>>)
    %dma_wait3A_62 = arith.constant 1 : i32
    %dma_wait3A_63 = arith.constant 0 : i32
    %dma_wait3A_64 = arith.constant 0 : i32
    %dma_wait3A_65 = tpu.memref_slice %arg10[%dma_wait3A_62, %dma_wait3A_63, %dma_wait3A_64] : memref<2x40x128xf32, #tpu.memory_space<vmem>> -> memref<1x40x128xf32, #tpu.memory_space<vmem>>
    %dma_wait3A_66 = tpu.memref_squeeze %dma_wait3A_65 : memref<1x40x128xf32, #tpu.memory_space<vmem>> -> memref<40x128xf32, #tpu.memory_space<vmem>>
    %dma_wait3A_67 = arith.constant 0 : i32
    %dma_wait3A_68 = arith.constant 0 : i32
    %dma_wait3A_69 = tpu.memref_slice %arg2[%dma_wait3A_67, %dma_wait3A_68] : memref<10000x128xf32, #tpu.memory_space<hbm>> -> memref<40x128xf32, #tpu.memory_space<hbm>>
    %dma_wait3A_70 = arith.constant 0 : i32
    %dma_wait3A_71 = arith.constant 0 : i32
    %dma_wait3A_72 = tpu.memref_slice %arg10[%dma_wait3A_62, %dma_wait3A_70, %dma_wait3A_71] : memref<2x40x128xf32, #tpu.memory_space<vmem>> -> memref<1x40x128xf32, #tpu.memory_space<vmem>>
    %dma_wait3A_73 = tpu.memref_squeeze %dma_wait3A_72 : memref<1x40x128xf32, #tpu.memory_space<vmem>> -> memref<40x128xf32, #tpu.memory_space<vmem>>
    %dma_wait3A_74 = arith.constant 0 : i32
    %dma_wait3A_75 = arith.constant 0 : i32
    %dma_wait3A_76 = tpu.memref_slice %arg2[%dma_wait3A_74, %dma_wait3A_75] : memref<10000x128xf32, #tpu.memory_space<hbm>> -> memref<40x128xf32, #tpu.memory_space<hbm>>
    tpu.wait_dma2 semaphore(%arg14 : memref<!tpu.dma_semaphore, #tpu.memory_space<semaphore_mem>>) src(%dma_wait3A_76 : memref<40x128xf32, #tpu.memory_space<hbm>>) dst(%dma_wait3A_73 : memref<40x128xf32, #tpu.memory_space<vmem>>)
    %lt3A_77 = arith.constant 25 : i32
    %lt3A_78 = arith.cmpi slt, %add3A, %lt3A_77 : i32
    %convert_element_type3A_79 = arith.extui %lt3A_78 : i1 to i32
    %cond3A_80 = arith.constant 0 : i32
    %cond3A_81 = arith.cmpi ne, %convert_element_type3A_79, %cond3A_80 : i32
    scf.if %cond3A_81 {
      %mul3A_82 = arith.constant 400 : i32
      %mul3A_83 = arith.muli %add3A, %mul3A_82 : i32
      %dma_wait3A_84 = arith.constant 0 : i32
      %dma_wait3A_85 = tpu.memref_slice %arg5[%mul3A_83, %dma_wait3A_84] : memref<330000x128xf32, #tpu.memory_space<hbm>> -> memref<400x128xf32, #tpu.memory_space<hbm>>
      %dma_wait3A_86 = arith.constant 0 : i32
      %dma_wait3A_87 = tpu.memref_slice %arg2[%mul3A_83, %dma_wait3A_86] : memref<10000x128xf32, #tpu.memory_space<hbm>> -> memref<400x128xf32, #tpu.memory_space<hbm>>
      tpu.wait_dma2 semaphore(%arg15 : memref<!tpu.dma_semaphore, #tpu.memory_space<semaphore_mem>>) src(%dma_wait3A_87 : memref<400x128xf32, #tpu.memory_space<hbm>>) dst(%dma_wait3A_85 : memref<400x128xf32, #tpu.memory_space<hbm>>)
    } else {
    }
    return
  }
}

</mosaic_0001>

<sc_bundles>
// kernel: kernel.3.cloned.1.call-start
scs
__scs_entry_jumppad:
0x0: {  	(pc) =	sbr.rel $0x88, $3  }
0x1: {  	(tag) =	ssettag $0x0;
	lr =	simm.s32 $0x1  }
0x2: {  	[smem:$0x3F9F] =	sst lr;
	_ =	strace $0xD0000000  }
0x3: {  	_ = 	snop  }
0x4: {  	_ = 	snop  }
0x5: {  	_ = 	snop  }
0x6: {  	_ = 	snop  }
0x7: {  	_ = 	snop  }
__scs_overlays_trampoline_lowered:
0x8: {  	[smem:$0x3FAE] =	sst s0  }
0x9: {  	[smem:$0x3FAF] =	sst s1  }
0xa: {  	[smem:$0x3FB0] =	sst s2  }
0xb: {  	[smem:$0x3FB1] =	sst s3  }
0xc: {  	[smem:$0x3FB2] =	sst s4  }
0xd: {  	[smem:$0x3FB3] =	sst s5  }
0xe: {  	[smem:$0x3FB4] =	sst s6  }
0xf: {  	[smem:$0x3FB5] =	sst s7  }
0x10: {  	[smem:$0x3FB6] =	sst s8  }
0x11: {  	[smem:$0x3FB7] =	sst s9;
	s0 =	simm.s32 @!p0 $0x0  }
0x12: {  	s1 =	sld [smem:$0x3F9D];
	s0 =	simm.s32 @p0 $0x1  }
0x13: {  	[smem:$0x3FB8] =	sst s0;
	s0 =	simm.s32 @!p1 $0x0  }
0x14: {  	s2 =	sld [smem:$0x3F9C];
	s0 =	simm.s32 @p1 $0x1  }
0x15: {  	[smem:$0x3FB9] =	sst s0;
	s0 =	simm.s32 @!p2 $0x0  }
0x16: {  	s3 =	sld [smem:$0x3FDB];
	s0 =	simm.s32 @p2 $0x1  }
0x17: {  	s4 =	simm.s32 $0x1BF5;
	[smem:$0x3FBB] =	sst s0  }
0x18: {  	s0 =	sld [smem:$0x3F9E];
	_ =	swait.ge [sflag:s4], $0x0  }
0x19: {  	s7 =	sld [smem:$0x3F9F]  }
0x1a: {  	s8 =	sadd.s32 $0xFFFFE003, lr  }
0x1b: {  	s9 =	sadd.s32 $0xFFFFFEF7, lr;
	s5 =	simm.s32 $0xFFFFFFFF;
	p2 =	slt.u32 s8, $0xFFFFF086  }
0x1c: {  	p1 =	slt.u32 s9, $0xF7A;
	s5 =	simm.s32 @!p2 $0x0  }
0x1d: {  	s5 =	simm.s32 @p1 $0x1;
	p0 =	seq.s32 s7, s2  }
0x1e: {  	s7 =	smul.u32 @!p0 $0xF7A, s2;
	p2 =	seq.s32 @!p0 s5, $0x0  }
0x1f: {  	s9 =	smul.u32 $0xF7A, s1;
	s8 =	simm.s32 @!p0 $0x1BF5;
	p2 =	por !p2, p0  }
0x20: {  	[sflag:s8] =	ssyncset.s32 @!p0 $0xFFFFF086;
	s6 =	sadd.s32 @!p0 s3, s7;
	s7 =	simm.s32 @!p0 $0x108  }
0x21: {  	s3 =	sadd.s32 s3, s9;
	s6 =	sadd.s32 @!p0 $0x88, s6;
	s7 =	simm.s32 @p2 $0x1082  }
0x22: {  	[simem:s7], [sflag:s8] =	dma.local @!p0 [hbm:s6], $0xF7A  }
0x23: {  	s9 =	sor.u32 $0xD0000000, s2;
	s6 =	simm.s32 $0x108;
	_ =	swait.ge @!p0 [sflag:s8], $0x0  }
0x24: {  	s3 =	sadd.s32 $0x88, s3;
	s6 =	simm.s32 @!p1 $0x1082;
	[sflag:s4] =	ssyncset.s32 $0xFFFFF086  }
0x25: {  	[simem:s6], [sflag:s4] =	dma.local [hbm:s3], $0xF7A  }
0x26: {  	[smem:$0x3F9F] =	sst s1;
	(tag) =	ssettag s2;
	_ =	strace s9  }
0x27: {  	s1 =	sld [smem:$0x3FAF]  }
0x28: {  	s2 =	sld [smem:$0x3FB0]  }
0x29: {  	s4 =	sld [smem:$0x3FB2]  }
0x2a: {  	p0 =	seq.s32 s5, $0x0;
	s5 =	sld [smem:$0x3FB3]  }
0x2b: {  	s6 =	sld [smem:$0x3FB4]  }
0x2c: {  	s7 =	sld [smem:$0x3FB5]  }
0x2d: {  	s3 =	simm.s32 $0x108;
	s8 =	sld [smem:$0x3FB6]  }
0x2e: {  	s3 =	simm.s32 @!p0 $0x1082;
	s9 =	sld [smem:$0x3FB7]  }
0x2f: {  	lr =	sadd.s32 s0, s3;
	s0 =	sld [smem:$0x3FAE]  }
0x30: {  	s3 =	sld [smem:$0x3FB1]  }
0x31: {  	[smem:$0x3FBA] =	sst s10  }
0x32: {  	s10 =	sld [smem:$0x3FB8];
	_ =	sdelay $0x3  }
0x33: {  	p0 =	seq.s32 s10, $0x1;
	s10 =	sld [smem:$0x3FBA];
	_ =	sdelay $0x3  }
0x34: {  	[smem:$0x3FBA] =	sst s10  }
0x35: {  	s10 =	sld [smem:$0x3FB9];
	_ =	sdelay $0x3  }
0x36: {  	p1 =	seq.s32 s10, $0x1;
	s10 =	sld [smem:$0x3FBA];
	_ =	sdelay $0x3  }
0x37: {  	[smem:$0x3FBA] =	sst s10  }
0x38: {  	s10 =	sld [smem:$0x3FBB]  }
0x39: {  	_ = 	snop;
	(pc) =	sbr.ind lr, $3  }
0x3a: {  	_ = 	snop  }
0x3b: {  	_ = 	snop  }
0x3c: {  	p2 =	seq.s32 s10, $0x1;
	s10 =	sld [smem:$0x3FBA]  }
0x3d: {  	_ =	shalt  }
0x3e: {  	_ =	shalt  }
0x3f: {  	_ =	shalt  }
0x40: {  	_ =	shalt  }
0x41: {  	_ =	shalt  }
0x42: {  	_ =	shalt  }
0x43: {  	_ =	shalt  }
0x44: {  	_ =	shalt  }
0x45: {  	_ =	shalt  }
0x46: {  	_ =	shalt  }
0x47: {  	_ =	shalt  }
0x48: {  	_ =	shalt  }
0x49: {  	_ =	shalt  }
0x4a: {  	_ =	shalt  }
0x4b: {  	_ =	shalt  }
0x4c: {  	_ =	shalt  }
0x4d: {  	_ =	shalt  }
0x4e: {  	_ =	shalt  }
0x4f: {  	_ =	shalt  }
0x50: {  	_ =	shalt  }
0x51: {  	_ =	shalt  }
0x52: {  	_ =	shalt  }
0x53: {  	_ =	shalt  }
0x54: {  	_ =	shalt  }
0x55: {  	_ =	shalt  }
0x56: {  	_ =	shalt  }
0x57: {  	_ =	shalt  }
0x58: {  	_ =	shalt  }
0x59: {  	_ =	shalt  }
0x5a: {  	_ =	shalt  }
0x5b: {  	_ =	shalt  }
0x5c: {  	_ =	shalt  }
0x5d: {  	_ =	shalt  }
0x5e: {  	_ =	shalt  }
0x5f: {  	_ =	shalt  }
0x60: {  	_ =	shalt  }
0x61: {  	_ =	shalt  }
0x62: {  	_ =	shalt  }
0x63: {  	_ =	shalt  }
0x64: {  	_ =	shalt  }
0x65: {  	_ =	shalt  }
0x66: {  	_ =	shalt  }
0x67: {  	_ =	shalt  }
0x68: {  	_ =	shalt  }
0x69: {  	_ =	shalt  }
0x6a: {  	_ =	shalt  }
0x6b: {  	_ =	shalt  }
0x6c: {  	_ =	shalt  }
0x6d: {  	_ =	shalt  }
0x6e: {  	_ =	shalt  }
0x6f: {  	_ =	shalt  }
0x70: {  	_ =	shalt  }
0x71: {  	_ =	shalt  }
0x72: {  	_ =	shalt  }
0x73: {  	_ =	shalt  }
0x74: {  	_ =	shalt  }
0x75: {  	_ =	shalt  }
0x76: {  	_ =	shalt  }
0x77: {  	_ =	shalt  }
0x78: {  	_ =	shalt  }
0x79: {  	_ =	shalt  }
0x7a: {  	_ =	shalt  }
0x7b: {  	_ =	shalt  }
0x7c: {  	_ =	shalt  }
0x7d: {  	_ =	shalt  }
0x7e: {  	_ =	shalt  }
0x7f: {  	_ =	shalt  }
0x80: {  	_ =	shalt  }
0x81: {  	_ =	shalt  }
0x82: {  	_ =	shalt  }
0x83: {  	_ =	shalt  }
0x84: {  	_ =	shalt  }
0x85: {  	_ =	shalt  }
0x86: {  	_ =	shalt  }
0x87: {  	_ =	shalt  }
.Lfunc_end0:
.L_simem_size_0:
called_computation_lowered:
.L_overlay_start_0:
0x88: {  	s2 =	sld [smem:$0x3FD9]  }
0x89: {  	s3 =	sld [smem:$0x3FFE];
	_ =	sdelay $0x1  }
0x8a: {  	s1 =	srdreg.scid  }
0x8b: {  	s0 =	sand.u32 $0x1, s1  }
0x8c: {  	s17 =	sshll.u32 s0, $0xA;
	s2 =	sadd.s32 s3, s2  }
0x8d: {  	s2 =	sadd.s32 s2, s17  }
0x8e: {  	[smem:$0x3FC6] =	sst s2  }
0x8f: {  	_ = 	snop  }
0x90: {  	s2 =	sld [smem:$0x3FC9]  }
0x91: {  	s18 =	sld [smem:$0x3FD0];
	(tm) =	ssettm $0x1  }
0x92: {  	s4 =	sld [smem:$0x3FFB];
	_ =	sdelay $0x3  }
0x93: {  	_ =	strace s4  }
0x94: {  	s4 =	sld [smem:$0x3FFC];
	_ =	sdelay $0x3  }
0x95: {  	_ =	strace s4  }
0x96: {  	s4 =	sld [smem:$0x3FFD];
	_ =	sdelay $0x3  }
0x97: {  	_ =	strace s4  }
0x98: {  	_ =	strace $0x8FFFFFFF  }
0x99: {  	s19 =	sld [smem:$0x3FDB];
	_ =	sdelay $0x1  }
0x9a: {  	s5 =	simm.s32 $_scs_section_size  }
0x9b: {  	s6 =	simm.s32 $_size__tile_overlayer_lowered;
	s7 =	simm.s32 $_tile_overlayer_lowered  }
0x9c: {  	s22 =	simm.s32 $0x1BFF;
	s21 =	sshll.u32 s7, $0x1;
	s4 =	sadd.s32 s5, s19  }
0x9d: {  	s8 =	simm.s32 $0x0;
	s20 =	sshll.u32 s6, $0x1;
	s6 =	sadd.s32 s21, s4  }
0x9e: {  	[timem:s8], [sflag:s22] =	dma.local [hbm:s6], s20  }
0x9f: {  	_ =	swait.ge [sflag:s22], s20  }
0xa0: {  	s5 =	ssub.s32 $0x0, s20;
	[sflag:s22] =	ssyncset.done $0x0  }
0xa1: {  	[sflag:s22] =	ssyncadd.s32 s5;
	_ =	sdelay $0x1  }
0xa2: {  	s23 =	simm.s32 $0x1B8B  }
0xa3: {  	_ =	swait.ge [sflag:s23], $0x1  }
0xa4: {  	[sflag:s23] =	ssyncset.done $0x0  }
0xa5: {  	s25 =	simm.s32 $0x1B8E;
	s24 =	sld [smem:$0x3FFE];
	[sflag:s23] =	ssyncadd.s32 $0xFFFFFFFF  }
0xa6: {  	s26 =	simm.s32 $execute0_lowered;
	[smem:$0x3FD2] =	sst s25  }
0xa7: {  	s6 =	sshll.u32 s26, $0x1;
	_ =	strace $0x80000046;
	[dreg:$0x1] =	wrdreg $0xFFFFFFFF  }
0xa8: {  	s28 =	simm.s32 $_size_execute0_lowered;
	s4 =	sadd.s32 s4, s6;
	[dreg:$0x0] =	wrdreg $0x0  }
0xa9: {  	s6 =	sshll.u32 s28, $0x1;
	[dreg:$0x2] =	wrdreg s4  }
0xaa: {  	[dreg:$0x3] =	wrdreg s6  }
0xab: {  	[dreg:$0x4] =	wrdreg $0xC0  }
0xac: {  	_ =	task [dreg:s8], $0x5FFFF  }
0xad: {  	[dreg:$0x1] =	wrdreg $0xFFFFFFFF  }
0xae: {  	[dreg:$0x0] =	wrdreg $0x60  }
0xaf: {  	[dreg:$0x2] =	wrdreg s2  }
0xb0: {  	[dreg:$0x3] =	wrdreg s24  }
0xb1: {  	[dreg:$0x4] =	wrdreg s18  }
0xb2: {  	[dreg:$0x5] =	wrdreg $0x9  }
0xb3: {  	_ =	task.clear_ibuf [dreg:s8], $0x6FFFF;
	_ =	strace $0x90000046  }
0xb4: {  	s29 =	simm.s32 $0x9;
	_ =	strace $0x80000048  }
0xb5: {  	_ =	swait.ge [sflag:s29], $0x1  }
0xb6: {  	[sflag:s29] =	ssyncadd.s32 $0xFFFFFFFF  }
0xb7: {  	_ =	strace $0x90000048  }
0xb8: {  	_ =	sfence  }
0xb9: {  	s30 =	sld [smem:$0x0];
	_ =	sdelay $0x2  }
0xba: {  	s31 =	sshll.u32 s1, $0xD;
	s1 =	sshrl.u32 s1, $0x2  }
0xbb: {  	s3 =	sand.u32 $0x4000, s31;
	s1 =	sadd.s32 s1, s30  }
0xbc: {  	s0 =	sor.u32 s3, s0;
	s1 =	sshll.u32 s1, $0x11  }
0xbd: {  	s0 =	sor.u32 s1, s0  }
0xbe: {  	s0 =	sadd.s32 $0x8F2B, s0  }
0xbf: {  	[sflag:s0] =	ssyncadd.remote.s32 $0x1  }
0xc0: {  	_ =	sfence.sel $0xFFFF  }
0xc1: {  	[dreg:$0x0] =	wrdreg $0xFFFFFFFF;
	(pc) =	sbr.abs _section_cstart, $3  }
0xc2: {  	[dreg:$0x1] =	wrdreg $0xFFFFFFFF  }
0xc3: {  	_ =	task.clear_ibuf [dreg:s8], $0x2FFFF;
	_ =	strace $0x9FFFFFFF  }
0xc4: {  	(tm) =	ssettm $0x7FFFFFFF  }
0xc5: {  	_ =	shalt  }
tec
execute0_lowered:
.L_overlay_start_1:
0x0: {  	(tag) =	ssettag $0x1  }
0x1: {  	s1 =	rddreg [dreg:$0x0];
	s0 =	srdreg.scid  }
0x2: {  	s11 =	stileid.u32;
	s2 =	rddreg [dreg:$0x1]  }
0x3: {  	s3 =	rddreg [dreg:$0x2];
	s13 =	simm.s32 $0x6;
	s14 =	simm.s32 $0x2780  }
0x4: {  	s15 =	simm.s32 $0x28;
	s16 =	simm.s32 $0x4F00;
	s17 =	simm.s32 $0x7700  }
0x5: {  	s18 =	simm.s32 $0x6300;
	s19 =	simm.s32 $0x27A8;
	s20 =	simm.s32 $0x8B00  }
0x6: {  	s21 =	simm.s32 $0x1;
	s22 =	simm.s32 $0x9F00;
	s23 =	simm.s32 $0x2  }
0x7: {  	s24 =	simm.s32 $0xB300;
	s0 =	sand.u32 $0x1, s0;
	s4 =	sshll.u32 s11, $0x1  }
0x8: {  	s25 =	simm.s32 $0x3;
	s26 =	simm.s32 $0x4;
	s8 =	sor.u32 s0, s4  }
0x9: {  	s28 =	simm.s32 $0x0;
	s4 =	simm.s32 $0x0;
	s6 =	smul.u32 $0x1900, s8  }
0xa: {  	s0 =	ssub.s32 $0x2, s0;
	[smem:$0x7FF] =	sst s4;
	s10 =	smul.u32 $0x2710, s8  }
.Ltmp0:
0xb: {  	s5 =	sshrl.u32 s0, $0x1;
	p0 =	sgt.u32 s8, $0x18;
	(pc) =	sbr.rel .LBB2_1-.Ltmp0, $4  }
0xc: {  	_ =	strace $0x80000047;
	s0 =	ssub.s32 s0, s5;
	s5 =	sadd.s32 s1, s6  }
0xd: {  	s7 =	sshrl.u32 s10, $0x3;
	s6 =	sadd.s32 s3, s6;
	s9 =	sadd.s32 $0x2710, s10  }
0xe: {  	s10 =	sadd.s32 $0x2738, s10;
	s7 =	sadd.s32 s2, s7;
	s2 =	sshll.u32 @!p0 s11, $0x6  }
0xf: {  	s11 =	smax.u32 s0, $0x1;
	s8 =	sadd.s32 $0x9E00, s7;
	s12 =	sor.u32 @!p0 $0x1C05, s2  }
.LBB2_8:
0x10: {  	_ =	swait.ge [sflag:s25], $0x1400  }
0x11: {  	[sflag:s25] =	ssyncset.done $0x0  }
0x12: {  	s28 =	sadd.s32 $0x1, s28;
	[sflag:s25] =	ssyncadd.s32 $0xFFFFEC00  }
0x13: {  	p1 =	sne.s32 s28, s11;
	_ =	swait.ge [sflag:s26], $0x1400  }
.Ltmp1:
0x14: {  	[sflag:s26] =	ssyncset.done $0x0;
	(pc) =	sbr.rel @!p1 .LBB2_9-.Ltmp1, $4  }
0x15: {  	s0 =	simm.s32 @!p0 $0x5;
	[sflag:s26] =	ssyncadd.s32 $0xFFFFEC00  }
0x16: {  	_ =	swait.ge @!p0 [sflag:s0], $0x1900  }
0x17: {  	[sflag:s0] =	ssyncset.done @!p0 $0x0  }
0x18: {  	[sflag:s0] =	ssyncadd.s32 @!p0 $0xFFFFE700  }
.LBB2_1:
0x19: {  	[hbm:s6], [sflag:s12] =	dma.local @!p0 [hbm:s5], $0x1900  }
0x1a: {  	[tilespmem:s4], [sflag:$0x6] =	stream.linear.gather [hbm4b:s8+s4], $0x2710, $0x38;
	[tilespmem:$0xC700] =	vst v63  }
0x1b: {  	_ =	swait.ge [sflag:s13], $0x2710  }
0x1c: {  	[sflag:s13] =	ssyncset.done $0x0  }
0x1d: {  	[sflag:s13] =	ssyncadd.s32 $0xFFFFD8F0  }
0x1e: {  	[tilespmem:s14], [sflag:$0x6] =	stream.linear.gather [hbm4b:s7+s4], $0x2710, $0x38;
	[tilespmem:$0xC700] =	vst v63  }
0x1f: {  	_ =	swait.ge [sflag:s13], $0x2710  }
0x20: {  	[sflag:s13] =	ssyncset.done $0x0  }
0x21: {  	[sflag:s13] =	ssyncadd.s32 $0xFFFFD8F0  }
0x22: {  	[tilespmem:s16], [sflag:$0x1] =	stream.indirect.gather [hbm4b:s1+s15], $0x80, s4, s15, $0xb8;
	[tilespmem:$0xC700] =	vst v63  }
0x23: {  	_ = 	snop  }
0x24: {  	[tilespmem:s17], [sflag:$0x1] =	stream.indirect.gather [hbm4b:s1+s15], $0x80, s14, s15, $0xb8;
	[tilespmem:$0xC700] =	vst v63  }
0x25: {  	_ = 	snop  }
0x26: {  	[tilespmem:s18], [sflag:$0x2] =	stream.indirect.gather [hbm4b:s1+s15], $0x80, s15, s15, $0xb8;
	[tilespmem:$0xC700] =	vst v63  }
0x27: {  	s29 =	simm.s32 $0x0  }
0x28: {  	[tilespmem:s20], [sflag:$0x2] =	stream.indirect.gather [hbm4b:s1+s15], $0x80, s19, s15, $0xb8;
	[tilespmem:$0xC700] =	vst v63  }
.LBB2_2:
0x29: {  	_ =	swait.ge [sflag:s21], $0x1400  }
0x2a: {  	[sflag:s21] =	ssyncset.done $0x0  }
0x2b: {  	[sflag:s21] =	ssyncadd.s32 $0xFFFFEC00  }
0x2c: {  	_ =	swait.ge [sflag:s21], $0x1400  }
0x2d: {  	p1 =	seq.s32 s29, $0x0;
	[sflag:s21] =	ssyncset.done $0x0  }
0x2e: {  	s0 =	simm.s32 @!p1 $0x3;
	[sflag:s21] =	ssyncadd.s32 $0xFFFFEC00  }
0x2f: {  	_ =	swait.ge @!p1 [sflag:s0], $0x1400  }
0x30: {  	[sflag:s0] =	ssyncset.done @!p1 $0x0  }
0x31: {  	s30 =	simm.s32 $0x0;
	[sflag:s0] =	ssyncadd.s32 @!p1 $0xFFFFEC00  }
0x32: {  	v0 =	vld [tilespmem:s30+$0x4F70]  }
0x33: {  	v1 =	vld [tilespmem:s30+$0x7770]  }
0x34: {  	v2 =	vld [tilespmem:s30+$0x4F00]  }
0x35: {  	v3 =	vld [tilespmem:s30+$0x7700]  }
0x36: {  	v4 =	vld [tilespmem:s30+$0x4F10]  }
0x37: {  	v5 =	vld [tilespmem:s30+$0x7710]  }
0x38: {  	v6 =	vld [tilespmem:s30+$0x4F20]  }
0x39: {  	v0 =	vadd.f32 v1, v0;
	v1 =	vld [tilespmem:s30+$0x7720]  }
0x3a: {  	v7 =	vld [tilespmem:s30+$0x4F30]  }
0x3b: {  	v8 =	vld [tilespmem:s30+$0x7730];
	v2 =	vadd.f32 v3, v2;
	v0 =	vmul.f32 $5.000000000e-01, v0  }
0x3c: {  	v9 =	vld [tilespmem:s30+$0x4F40]  }
0x3d: {  	v10 =	vld [tilespmem:s30+$0x7740];
	v2 =	vmul.f32 $5.000000000e-01, v2;
	[tilespmem:s30+$0x9F70] =	vst v0;
	v0 =	vadd.f32 v5, v4  }
0x3e: {  	v3 =	vld [tilespmem:s30+$0x7750];
	v1 =	vadd.f32 v1, v6  }
0x3f: {  	[tilespmem:s30+$0x9F00] =	vst v2;
	v2 =	vld [tilespmem:s30+$0x4F50];
	v0 =	vmul.f32 $5.000000000e-01, v0  }
0x40: {  	v4 =	vld [tilespmem:s30+$0x7760];
	v6 =	vadd.f32 v8, v7;
	v5 =	vmul.f32 $5.000000000e-01, v1  }
0x41: {  	s31 =	simm.s32 $0x80;
	[tilespmem:s30+$0x9F10] =	vst v0;
	v0 =	vld [tilespmem:s30+$0x4F60]  }
0x42: {  	s2 =	simm.s32 $0x400;
	v1 =	vld [tilespmem:s31+$0x4F70];
	[tilespmem:s30+$0x9F20] =	vst v5;
	v5 =	vmul.f32 $5.000000000e-01, v6;
	v6 =	vadd.f32 v10, v9  }
.LBB2_3:
0x43: {  	p2 =	sne.s32 s2, $0x4E00;
	v7 =	vld [tilespmem:s31+$0x7770]  }
0x44: {  	v8 =	vld [tilespmem:s31+$0x4F00];
	[tilespmem:s30+$0x9F30] =	vst v5;
	v5 =	vmul.f32 $5.000000000e-01, v6;
	v2 =	vadd.f32 v3, v2  }
0x45: {  	v3 =	vld [tilespmem:s31+$0x7700]  }
0x46: {  	v6 =	vld [tilespmem:s31+$0x4F10];
	[tilespmem:s30+$0x9F40] =	vst v5;
	v2 =	vmul.f32 $5.000000000e-01, v2;
	v0 =	vadd.f32 v4, v0  }
0x47: {  	v4 =	vld [tilespmem:s31+$0x7710]  }
0x48: {  	v5 =	vld [tilespmem:s31+$0x4F20];
	v1 =	vadd.f32 v7, v1;
	[tilespmem:s30+$0x9F50] =	vst v2;
	v0 =	vmul.f32 $5.000000000e-01, v0  }
0x49: {  	v2 =	vld [tilespmem:s31+$0x7720]  }
0x4a: {  	v3 =	vadd.f32 v3, v8;
	v7 =	vld [tilespmem:s31+$0x4F30];
	v1 =	vmul.f32 $5.000000000e-01, v1;
	[tilespmem:s30+$0x9F60] =	vst v0;
	s30 =	smov.u32 s31  }
0x4b: {  	v0 =	vld [tilespmem:s30+$0x7730]  }
0x4c: {  	v3 =	vmul.f32 $5.000000000e-01, v3;
	v4 =	vadd.f32 v4, v6;
	v6 =	vld [tilespmem:s30+$0x4F40];
	[tilespmem:s30+$0x9F70] =	vst v1  }
0x4d: {  	v8 =	vld [tilespmem:s30+$0x7740]  }
.Ltmp2:
0x4e: {  	[tilespmem:s30+$0x9F00] =	vst v3;
	v1 =	vmul.f32 $5.000000000e-01, v4;
	v4 =	vadd.f32 v2, v5;
	v2 =	vld [tilespmem:s30+$0x4F50];
	(pc) =	sbr.rel @p2 .LBB2_3-.Ltmp2, $4  }
0x4f: {  	v3 =	vld [tilespmem:s30+$0x7750]  }
0x50: {  	[tilespmem:s30+$0x9F10] =	vst v1;
	v5 =	vmul.f32 $5.000000000e-01, v4;
	v7 =	vadd.f32 v0, v7;
	v0 =	vld [tilespmem:s30+$0x4F60]  }
0x51: {  	s31 =	sshra.s32 s2, $0x2;
	v4 =	vld [tilespmem:s30+$0x7760]  }
0x52: {  	s2 =	sadd.s32 $0x200, s2;
	v1 =	vld [tilespmem:s31+$0x4F70];
	[tilespmem:s30+$0x9F20] =	vst v5;
	v5 =	vmul.f32 $5.000000000e-01, v7;
	v6 =	vadd.f32 v8, v6  }
0x53: {  	v7 =	vld [tilespmem:s31+$0x7770]  }
0x54: {  	v8 =	vld [tilespmem:s31+$0x4F00];
	[tilespmem:s30+$0x9F30] =	vst v5;
	v5 =	vmul.f32 $5.000000000e-01, v6;
	v2 =	vadd.f32 v3, v2  }
0x55: {  	v6 =	vld [tilespmem:s31+$0x7700]  }
0x56: {  	v3 =	vld [tilespmem:s31+$0x4F10];
	[tilespmem:s30+$0x9F40] =	vst v5;
	v2 =	vmul.f32 $5.000000000e-01, v2;
	v0 =	vadd.f32 v4, v0  }
0x57: {  	v5 =	vld [tilespmem:s31+$0x7710]  }
0x58: {  	v4 =	vld [tilespmem:s31+$0x4F20];
	[tilespmem:s30+$0x9F50] =	vst v2;
	v0 =	vmul.f32 $5.000000000e-01, v0  }
0x59: {  	v1 =	vadd.f32 v7, v1;
	v2 =	vld [tilespmem:s31+$0x7720]  }
0x5a: {  	v7 =	vld [tilespmem:s31+$0x4F30];
	[tilespmem:s30+$0x9F60] =	vst v0  }
0x5b: {  	v0 =	vadd.f32 v6, v8;
	v1 =	vmul.f32 $5.000000000e-01, v1;
	v6 =	vld [tilespmem:s31+$0x7730]  }
0x5c: {  	v8 =	vld [tilespmem:s31+$0x4F40]  }
0x5d: {  	v9 =	vld [tilespmem:s31+$0x7760];
	v0 =	vmul.f32 $5.000000000e-01, v0;
	[tilespmem:s31+$0x9F70] =	vst v1;
	v1 =	vadd.f32 v5, v3  }
0x5e: {  	v3 =	vld [tilespmem:s31+$0x7740]  }
0x5f: {  	v5 =	vld [tilespmem:s31+$0x7750];
	[tilespmem:s31+$0x9F00] =	vst v0;
	v0 =	vmul.f32 $5.000000000e-01, v1  }
0x60: {  	v1 =	vld [tilespmem:s31+$0x4F50]  }
0x61: {  	[tilespmem:s31+$0x9F10] =	vst v0;
	v0 =	vld [tilespmem:s31+$0x4F60]  }
0x62: {  	v2 =	vadd.f32 v2, v4  }
0x63: {  	v4 =	vadd.f32 v6, v7  }
0x64: {  	v2 =	vmul.f32 $5.000000000e-01, v2;
	v3 =	vadd.f32 v3, v8  }
0x65: {  	v4 =	vmul.f32 $5.000000000e-01, v4;
	v1 =	vadd.f32 v5, v1  }
0x66: {  	s30 =	smul.u32 $0x50, s29;
	[tilespmem:s31+$0x9F20] =	vst v2;
	v2 =	vmul.f32 $5.000000000e-01, v3;
	v0 =	vadd.f32 v9, v0  }
0x67: {  	[tilespmem:s31+$0x9F30] =	vst v4;
	v1 =	vmul.f32 $5.000000000e-01, v1  }
0x68: {  	s0 =	sadd.s32 s9, s30;
	[tilespmem:s31+$0x9F40] =	vst v2;
	v0 =	vmul.f32 $5.000000000e-01, v0  }
0x69: {  	s0 =	sshll.u32 s0, $0x4;
	[tilespmem:s31+$0x9F50] =	vst v1  }
0x6a: {  	p2 =	seq.s32 s29, $0x7C;
	s0 =	sadd.s32 s3, s0;
	[tilespmem:s31+$0x9F60] =	vst v0  }
0x6b: {  	[hbm4b:s0+s4] =	stream.linear.scatter [tilespmem:s22], [sflag:$0x3], $0x1400, $0x38;
	[tilespmem:$0xC700] =	vst v63  }
0x6c: {  	s2 =	simm.s32 @!p2 $0x28;
	s31 =	simm.s32 @!p2 $0x4F00;
	s0 =	sadd.s32 @!p2 $0x50, s30  }
0x6d: {  	[tilespmem:s31], [sflag:$0x1] =	stream.indirect.gather @!p2 [hbm4b:s1+s2], $0x80, s0, s2, $0xb8;
	[tilespmem:$0xC700] =	vst v63  }
0x6e: {  	s0 =	sadd.s32 @!p2 $0x27D0, s30;
	s31 =	simm.s32 @!p2 $0x7700  }
0x6f: {  	[tilespmem:s31], [sflag:$0x1] =	stream.indirect.gather @!p2 [hbm4b:s1+s2], $0x80, s0, s2, $0xb8;
	[tilespmem:$0xC700] =	vst v63  }
0x70: {  	_ =	swait.ge [sflag:s23], $0x1400  }
0x71: {  	[sflag:s23] =	ssyncset.done $0x0  }
0x72: {  	[sflag:s23] =	ssyncadd.s32 $0xFFFFEC00  }
0x73: {  	_ =	swait.ge [sflag:s23], $0x1400  }
0x74: {  	[sflag:s23] =	ssyncset.done $0x0  }
0x75: {  	s0 =	simm.s32 @!p1 $0x4;
	[sflag:s23] =	ssyncadd.s32 $0xFFFFEC00  }
0x76: {  	_ =	swait.ge @!p1 [sflag:s0], $0x1400  }
0x77: {  	[sflag:s0] =	ssyncset.done @!p1 $0x0  }
0x78: {  	s31 =	simm.s32 $0x0;
	[sflag:s0] =	ssyncadd.s32 @!p1 $0xFFFFEC00  }
0x79: {  	v0 =	vld [tilespmem:s31+$0x6370]  }
0x7a: {  	v1 =	vld [tilespmem:s31+$0x8B70]  }
0x7b: {  	v2 =	vld [tilespmem:s31+$0x6300]  }
0x7c: {  	v3 =	vld [tilespmem:s31+$0x8B00]  }
0x7d: {  	v4 =	vld [tilespmem:s31+$0x6310]  }
0x7e: {  	v5 =	vld [tilespmem:s31+$0x8B10]  }
0x7f: {  	v6 =	vld [tilespmem:s31+$0x6320]  }
0x80: {  	v0 =	vadd.f32 v1, v0;
	v1 =	vld [tilespmem:s31+$0x8B20]  }
0x81: {  	v7 =	vld [tilespmem:s31+$0x6330]  }
0x82: {  	v8 =	vld [tilespmem:s31+$0x8B30];
	v2 =	vadd.f32 v3, v2;
	v0 =	vmul.f32 $5.000000000e-01, v0  }
0x83: {  	v63 =	vld [tilespmem:s31+$0x6340]  }
0x84: {  	v10 =	vld [tilespmem:s31+$0x8B40];
	v2 =	vmul.f32 $5.000000000e-01, v2;
	[tilespmem:s31+$0xB370] =	vst v0;
	v0 =	vadd.f32 v5, v4  }
0x85: {  	v3 =	vld [tilespmem:s31+$0x8B50];
	v1 =	vadd.f32 v1, v6  }
0x86: {  	[tilespmem:s31+$0xB300] =	vst v2;
	v2 =	vld [tilespmem:s31+$0x6350];
	v0 =	vmul.f32 $5.000000000e-01, v0  }
0x87: {  	v4 =	vld [tilespmem:s31+$0x8B60];
	v6 =	vadd.f32 v8, v7;
	v5 =	vmul.f32 $5.000000000e-01, v1  }
0x88: {  	s2 =	simm.s32 $0x80;
	[tilespmem:s31+$0xB310] =	vst v0;
	v0 =	vld [tilespmem:s31+$0x6360]  }
0x89: {  	s0 =	simm.s32 $0x400;
	v1 =	vld [tilespmem:s2+$0x6370];
	[tilespmem:s31+$0xB320] =	vst v5;
	v5 =	vmul.f32 $5.000000000e-01, v6;
	v6 =	vadd.f32 v10, v63  }
.LBB2_5:
0x8a: {  	p1 =	sne.s32 s0, $0x4E00;
	v7 =	vld [tilespmem:s2+$0x8B70]  }
0x8b: {  	v8 =	vld [tilespmem:s2+$0x6300];
	[tilespmem:s31+$0xB330] =	vst v5;
	v5 =	vmul.f32 $5.000000000e-01, v6;
	v2 =	vadd.f32 v3, v2  }
0x8c: {  	v3 =	vld [tilespmem:s2+$0x8B00]  }
0x8d: {  	v6 =	vld [tilespmem:s2+$0x6310];
	[tilespmem:s31+$0xB340] =	vst v5;
	v2 =	vmul.f32 $5.000000000e-01, v2;
	v0 =	vadd.f32 v4, v0  }
0x8e: {  	v4 =	vld [tilespmem:s2+$0x8B10]  }
0x8f: {  	v5 =	vld [tilespmem:s2+$0x6320];
	v1 =	vadd.f32 v7, v1;
	[tilespmem:s31+$0xB350] =	vst v2;
	v0 =	vmul.f32 $5.000000000e-01, v0  }
0x90: {  	v2 =	vld [tilespmem:s2+$0x8B20]  }
0x91: {  	v3 =	vadd.f32 v3, v8;
	v7 =	vld [tilespmem:s2+$0x6330];
	v1 =	vmul.f32 $5.000000000e-01, v1;
	[tilespmem:s31+$0xB360] =	vst v0;
	s31 =	smov.u32 s2  }
0x92: {  	v0 =	vld [tilespmem:s31+$0x8B30]  }
0x93: {  	v3 =	vmul.f32 $5.000000000e-01, v3;
	v4 =	vadd.f32 v4, v6;
	v6 =	vld [tilespmem:s31+$0x6340];
	[tilespmem:s31+$0xB370] =	vst v1  }
0x94: {  	v8 =	vld [tilespmem:s31+$0x8B40]  }
.Ltmp3:
0x95: {  	[tilespmem:s31+$0xB300] =	vst v3;
	v1 =	vmul.f32 $5.000000000e-01, v4;
	v4 =	vadd.f32 v2, v5;
	v2 =	vld [tilespmem:s31+$0x6350];
	(pc) =	sbr.rel @p1 .LBB2_5-.Ltmp3, $4  }
0x96: {  	v3 =	vld [tilespmem:s31+$0x8B50]  }
0x97: {  	[tilespmem:s31+$0xB310] =	vst v1;
	v5 =	vmul.f32 $5.000000000e-01, v4;
	v7 =	vadd.f32 v0, v7;
	v0 =	vld [tilespmem:s31+$0x6360]  }
0x98: {  	s2 =	sshra.s32 s0, $0x2;
	v4 =	vld [tilespmem:s31+$0x8B60]  }
0x99: {  	s0 =	sadd.s32 $0x200, s0;
	v1 =	vld [tilespmem:s2+$0x6370];
	[tilespmem:s31+$0xB320] =	vst v5;
	v5 =	vmul.f32 $5.000000000e-01, v7;
	v6 =	vadd.f32 v8, v6  }
0x9a: {  	v7 =	vld [tilespmem:s2+$0x8B70]  }
0x9b: {  	v8 =	vld [tilespmem:s2+$0x6300];
	[tilespmem:s31+$0xB330] =	vst v5;
	v48 =	vmul.f32 $5.000000000e-01, v6;
	v2 =	vadd.f32 v3, v2  }
0x9c: {  	v49 =	vld [tilespmem:s2+$0x8B00]  }
0x9d: {  	v50 =	vld [tilespmem:s2+$0x6310];
	[tilespmem:s31+$0xB340] =	vst v48;
	v2 =	vmul.f32 $5.000000000e-01, v2;
	v0 =	vadd.f32 v4, v0  }
0x9e: {  	v5 =	vld [tilespmem:s2+$0x8B10]  }
0x9f: {  	v51 =	vld [tilespmem:s2+$0x6320];
	[tilespmem:s31+$0xB350] =	vst v2;
	v0 =	vmul.f32 $5.000000000e-01, v0  }
0xa0: {  	v2 =	vld [tilespmem:s2+$0x8B20]  }
0xa1: {  	v52 =	vld [tilespmem:s2+$0x6330];
	[tilespmem:s31+$0xB360] =	vst v0  }
0xa2: {  	v54 =	vld [tilespmem:s2+$0x8B30]  }
0xa3: {  	v55 =	vld [tilespmem:s2+$0x6340]  }
0xa4: {  	v57 =	vld [tilespmem:s2+$0x8B40]  }
0xa5: {  	v59 =	vld [tilespmem:s2+$0x6350]  }
0xa6: {  	v1 =	vadd.f32 v7, v1;
	v60 =	vld [tilespmem:s2+$0x8B50]  }
0xa7: {  	v53 =	vadd.f32 v49, v8;
	v61 =	vld [tilespmem:s2+$0x6360]  }
0xa8: {  	v1 =	vmul.f32 $5.000000000e-01, v1;
	v9 =	vld [tilespmem:s2+$0x8B60];
	v56 =	vadd.f32 v5, v50  }
0xa9: {  	v0 =	vmul.f32 $5.000000000e-01, v53;
	v2 =	vadd.f32 v2, v51  }
0xaa: {  	[tilespmem:s2+$0xB370] =	vst v1;
	v58 =	vmul.f32 $5.000000000e-01, v56;
	v62 =	vadd.f32 v54, v52  }
0xab: {  	[tilespmem:s2+$0xB300] =	vst v0;
	v2 =	vmul.f32 $5.000000000e-01, v2;
	v3 =	vadd.f32 v57, v55  }
0xac: {  	[tilespmem:s2+$0xB310] =	vst v58;
	v1 =	vadd.f32 v60, v59;
	v4 =	vmul.f32 $5.000000000e-01, v62  }
0xad: {  	v0 =	vadd.f32 v9, v61;
	[tilespmem:s2+$0xB320] =	vst v2;
	v63 =	vmul.f32 $5.000000000e-01, v3  }
.Ltmp4:
0xae: {  	v1 =	vmul.f32 $5.000000000e-01, v1;
	[tilespmem:s2+$0xB330] =	vst v4;
	(pc) =	sbr.rel @p2 .LBB2_8-.Ltmp4, $4  }
0xaf: {  	s0 =	sadd.s32 s10, s30;
	v0 =	vmul.f32 $5.000000000e-01, v0;
	[tilespmem:s2+$0xB340] =	vst v63  }
0xb0: {  	s0 =	sshll.u32 s0, $0x4;
	[tilespmem:s2+$0xB350] =	vst v1  }
0xb1: {  	s0 =	sadd.s32 s3, s0;
	[tilespmem:s2+$0xB360] =	vst v0  }
0xb2: {  	[hbm4b:s0+s4] =	stream.linear.scatter [tilespmem:s24], [sflag:$0x4], $0x1400, $0x38;
	[tilespmem:$0xC700] =	vst v63  }
.Ltmp5:
0xb3: {  	(pc) =	sbr.rel .LBB2_2-.Ltmp5, $4  }
0xb4: {  	s0 =	sadd.s32 $0x78, s30  }
0xb5: {  	[tilespmem:s18], [sflag:$0x2] =	stream.indirect.gather [hbm4b:s1+s15], $0x80, s0, s15, $0xb8;
	[tilespmem:$0xC700] =	vst v63  }
0xb6: {  	s31 =	sadd.s32 $0x27F8, s30;
	s29 =	sadd.s32 $0x1, s29  }
0xb7: {  	[tilespmem:s20], [sflag:$0x2] =	stream.indirect.gather [hbm4b:s1+s15], $0x80, s31, s15, $0xb8;
	[tilespmem:$0xC700] =	vst v63  }
.LBB2_9:
0xb8: {  	_ =	sfence.sel $0x180000  }
0xb9: {  	[bflag:$0x0] =	sbarrier.arrive $0xFFFF  }
0xba: {  	_ =	strace $0x90000047  }
0xbb: {  	s0 =	stileid.u32;
	[bflag:$0x2] =	sbarrier.arrive $0xFFFF  }
0xbc: {  	p0 =	sne.s32 s0, $0x0;
	s0 =	rddreg [dreg:$0x3]  }
0xbd: {  	s0 =	sadd.s32 @!p0 $0x100000, s0  }
0xbe: {  	[sflag:s0] =	ssyncadd.tile.s32 @!p0 $0x1;
	_ =	shalt  }
.Lfunc_end2:
_tile_overlayer_lowered:
.L_overlay_start_2:
0xbf: {  	(tag) =	ssettag $0x2  }
0xc0: {  	s0 =	rddreg [dreg:$0x0];
	s2 =	stileid.u32  }
0xc1: {  	s1 =	rddreg [dreg:$0x1];
	p0 =	sne.s32 s2, $0x0  }
0xc2: {  	s3 =	rddreg [dreg:$0x2];
	[bflag:$0x3] =	sbarrier.arrive $0xFFFF;
	s2 =	simm.s32 @!p0 $0x1C06  }
0xc3: {  	[timem:s3], [sflag:s2] =	dma.local @!p0 [hbm:s0], s1  }
0xc4: {  	s0 =	simm.s32 @!p0 $0x6  }
0xc5: {  	_ =	swait.ge @!p0 [sflag:s0], s1  }
0xc6: {  	s1 =	ssub.s32 @!p0 $0x0, s1;
	[sflag:s0] =	ssyncset.done @!p0 $0x0  }
0xc7: {  	[sflag:s0] =	ssyncadd.s32 @!p0 s1  }
0xc8: {  	[bflag:$0x3] =	sbarrier.arrive $0xFFFF  }
0xc9: {  	_ =	shalt  }

</sc_bundles>
